<compile_context>
chip_gen: v7x
topology: tpu7x:2x2x1
jax: 0.10.2.dev20260603
libtpu: 0.0.44.dev20260713+nightly
codegen_flags: <defaults>
</compile_context>

<pallas_src>
import jax
import jax.numpy as jnp
from jax import lax
from jax.experimental import pallas as pl
from jax.experimental.pallas import tpu as pltpu
from jax.experimental.pallas import tpu_sc as plsc

D_MODEL = 64
SCALE = 8.0
NC, NS = 2, 16
NW = NC * NS
LANES = 16

VOCAB = 1000000
TCBLK = 4096


def _iota16():
    return lax.iota(jnp.int32, 16)


def _tc_transpose_body(tT_ref, o_ref):
    eye = jnp.eye(D_MODEL, dtype=jnp.float32)
    o_ref[:, :D_MODEL] = jax.lax.dot_general(
        tT_ref[...], eye, (((0,), (0,)), ((), ())),
        preferred_element_type=jnp.float32,
    ) * SCALE


def _gather_body(xT_hbm, scratch_hbm, out2_hbm, xv, rows_v, sem_g, sem_w):
    wid = lax.axis_index("s") * NC + lax.axis_index("c")
    b0 = wid * 128
    n_c = xv.shape[0] * 8

    for cb in range(xv.shape[0]):
        pltpu.sync_copy(
            xT_hbm.at[pl.ds(cb * 8, 8), pl.ds(b0, 128)], xv.at[cb]
        )

    def issue_gather(c):
        sl = c & 3
        pltpu.async_copy(
            scratch_hbm.at[xv.at[c >> 3, c & 7]],
            rows_v.at[pl.ds(sl * 128, 128)],
            sem_g.at[sl],
        )

    def wait_gather(sl):
        pltpu.make_async_copy(
            scratch_hbm.at[pl.ds(0, 128)],
            rows_v.at[pl.ds(sl * 128, 128)],
            sem_g.at[sl],
        ).wait()

    def issue_write(c):
        sl = c & 3
        pltpu.async_copy(
            rows_v.at[pl.ds(sl * 128, 128)],
            out2_hbm.at[pl.ds(c * 4096 + b0, 128)],
            sem_w.at[sl],
        )

    def wait_write(sl):
        pltpu.make_async_copy(
            rows_v.at[pl.ds(sl * 128, 128)],
            out2_hbm.at[pl.ds(0, 128)],
            sem_w.at[sl],
        ).wait()

    issue_gather(0)
    issue_gather(1)

    @pl.loop(0, n_c)
    def _col(c):
        sl = c & 3

        @pl.when(c + 2 < n_c)
        def _():
            @pl.when(c >= 2)
            def _():
                wait_write((c + 2) & 3)

            issue_gather(c + 2)

        wait_gather(sl)
        issue_write(c)

    wait_write(0)
    wait_write(1)
    wait_write(2)
    wait_write(3)


def _tc_untranspose_body(in_ref, o_ref):
    eye = jnp.eye(D_MODEL, dtype=jnp.float32)
    o_ref[0] = jax.lax.dot_general(
        eye, in_ref[:, :D_MODEL], (((1,), (1,)), ((), ())),
        preferred_element_type=jnp.float32,
    )


def kernel(x, table):
    n_b, n_c = x.shape
    mesh = plsc.VectorSubcoreMesh(core_axis_name="c", subcore_axis_name="s")
    params = pltpu.CompilerParams(
        use_tc_tiling_on_sc=True, needs_layout_passes=False
    )

    tT = table.T

    scratch = pl.pallas_call(
        _tc_transpose_body,
        grid=(pl.cdiv(VOCAB, TCBLK),),
        in_specs=[pl.BlockSpec((D_MODEL, TCBLK), lambda i: (0, i))],
        out_specs=pl.BlockSpec((TCBLK, 128), lambda i: (i, 0)),
        out_shape=jax.ShapeDtypeStruct((VOCAB, 128), jnp.float32),
    )(tT)

    out2 = pl.kernel(
        _gather_body,
        out_type=jax.ShapeDtypeStruct((n_b * n_c, 128), jnp.float32),
        mesh=mesh,
        scratch_types=[
            pltpu.VMEM((n_c // 8, 8, 128), jnp.int32),
            pltpu.VMEM((4 * 128, 128), jnp.float32),
            pltpu.SemaphoreType.DMA((4,)),
            pltpu.SemaphoreType.DMA((4,)),
        ],
        compiler_params=params,
    )(x.T, scratch)

    outT = pl.pallas_call(
        _tc_untranspose_body,
        grid=(n_c,),
        in_specs=[pl.BlockSpec((n_b, 128), lambda i: (i, 0))],
        out_specs=pl.BlockSpec((1, D_MODEL, n_b), lambda i: (i, 0, 0)),
        out_shape=jax.ShapeDtypeStruct((n_c, D_MODEL, n_b), jnp.float32),
    )(out2)

    return outT.transpose(2, 0, 1)

# --- scband reference (transcript-rebuilt; emitter-appended) ---
"""Pipeline reference for scband-embedding-32375463477973 (READ-ONLY COPY).

The authoritative reference and input builder live on the scoring server;
editing this copy changes nothing except your own understanding.
"""

import jax, jax.numpy as jnp
import numpy as np
import math

VOCAB = 1000000
D_MODEL = 64

def setup_inputs(seed: int = 0) -> dict:
    key = jax.random.key(seed)
    k1, k2 = jax.random.split(key)
    x = jax.random.randint(k1, (4096, 200), 0, VOCAB, dtype=jnp.int64 if jax.config.jax_enable_x64 else jnp.int32).astype(jnp.int32)
    table = jax.random.normal(k2, (VOCAB, D_MODEL), dtype=jnp.float32)
    return {"x": x, "table": table}

def reference(x, table):
    # nn.Embedding lookup followed by scaling by sqrt(d_model)
    emb = jnp.take(table, x, axis=0)
    out = emb * math.sqrt(D_MODEL)
    return out

if __name__ == "__main__":
    import jax
    _d = setup_inputs()
    print(jax.jit(kernel)(*tuple(_d.values())))

</pallas_src>

<mosaic_0001>
#map = affine_map<(d0, d1) -> (0, 0)>
module attributes {stable_mosaic.version = 14 : i64} {
  func.func @_gather_body(%arg0: i32, %arg1: i32, %arg2: memref<200x4096xi32, #tpu.memory_space<hbm>>, %arg3: memref<1000000x128xf32, #tpu.memory_space<hbm>>, %arg4: memref<819200x128xf32, #tpu.memory_space<hbm>>, %arg5: memref<25x8x128xi32, #tpu.memory_space<vmem>>, %arg6: memref<512x128xf32, #tpu.memory_space<vmem>>, %arg7: memref<4x!tpu.dma_semaphore, #tpu.memory_space<semaphore_mem>>, %arg8: memref<4x!tpu.dma_semaphore, #tpu.memory_space<semaphore_mem>>) attributes {dimension_semantics = [#tpu.dimension_semantics<core_parallel>, #tpu.dimension_semantics<subcore_parallel>], iteration_bounds = array<i64: 2, 16>, scalar_prefetch = 0 : i64, scratch_operands = 4 : i64, tpu.core_type = #tpu.core_type<sc_vector_subcore>, window_params = [{transform_indices = #map}, {transform_indices = #map}, {transform_indices = #map}]} {
    %mul3A = arith.constant 2 : i32
    %mul3A_0 = arith.muli %arg1, %mul3A : i32
    %add3A = arith.addi %mul3A_0, %arg0 : i32
    %mul3A_1 = arith.constant 128 : i32
    %mul3A_2 = arith.muli %add3A, %mul3A_1 : i32
    %run_scoped3A = arith.constant 0 : i32
    "tpu.region"() ({
      %run_scoped3A_117 = tpu.sem_alloc : memref<!tpu.dma_semaphore, #tpu.memory_space<semaphore_mem>>
      %dma_start3A_118 = arith.constant 0 : i32
      %dma_start3A_119 = arith.constant 0 : i32
      %dma_start3A_120 = tpu.memref_slice %arg5[%run_scoped3A, %dma_start3A_118, %dma_start3A_119] : memref<25x8x128xi32, #tpu.memory_space<vmem>> -> memref<1x8x128xi32, #tpu.memory_space<vmem>>
      %dma_start3A_121 = tpu.memref_squeeze %dma_start3A_120 : memref<1x8x128xi32, #tpu.memory_space<vmem>> -> memref<8x128xi32, #tpu.memory_space<vmem>>
      %dma_start3A_122 = arith.constant 0 : i32
      %dma_start3A_123 = tpu.memref_slice %arg2[%dma_start3A_122, %mul3A_2] : memref<200x4096xi32, #tpu.memory_space<hbm>> -> memref<8x128xi32, #tpu.memory_space<hbm>>
      %dma_start3A_124 = arith.constant 0 : i32
      %dma_start3A_125 = arith.constant 0 : i32
      %dma_start3A_126 = tpu.memref_slice %arg5[%run_scoped3A, %dma_start3A_124, %dma_start3A_125] : memref<25x8x128xi32, #tpu.memory_space<vmem>> -> memref<1x8x128xi32, #tpu.memory_space<vmem>>
      %dma_start3A_127 = tpu.memref_squeeze %dma_start3A_126 : memref<1x8x128xi32, #tpu.memory_space<vmem>> -> memref<8x128xi32, #tpu.memory_space<vmem>>
      %dma_start3A_128 = arith.constant 0 : i32
      %dma_start3A_129 = tpu.memref_slice %arg2[%dma_start3A_128, %mul3A_2] : memref<200x4096xi32, #tpu.memory_space<hbm>> -> memref<8x128xi32, #tpu.memory_space<hbm>>
      tpu.enqueue_dma source(%dma_start3A_129 : memref<8x128xi32, #tpu.memory_space<hbm>>) target(%dma_start3A_127 : memref<8x128xi32, #tpu.memory_space<vmem>>) target_semaphore(%run_scoped3A_117 : memref<!tpu.dma_semaphore, #tpu.memory_space<semaphore_mem>>)
      %dma_wait3A_130 = arith.constant 0 : i32
      %dma_wait3A_131 = arith.constant 0 : i32
      %dma_wait3A_132 = tpu.memref_slice %arg5[%run_scoped3A, %dma_wait3A_130, %dma_wait3A_131] : memref<25x8x128xi32, #tpu.memory_space<vmem>> -> memref<1x8x128xi32, #tpu.memory_space<vmem>>
      %dma_wait3A_133 = tpu.memref_squeeze %dma_wait3A_132 : memref<1x8x128xi32, #tpu.memory_space<vmem>> -> memref<8x128xi32, #tpu.memory_space<vmem>>
      %dma_wait3A_134 = arith.constant 0 : i32
      %dma_wait3A_135 = tpu.memref_slice %arg2[%dma_wait3A_134, %mul3A_2] : memref<200x4096xi32, #tpu.memory_space<hbm>> -> memref<8x128xi32, #tpu.memory_space<hbm>>
      %dma_wait3A_136 = arith.constant 0 : i32
      %dma_wait3A_137 = arith.constant 0 : i32
      %dma_wait3A_138 = tpu.memref_slice %arg5[%run_scoped3A, %dma_wait3A_136, %dma_wait3A_137] : memref<25x8x128xi32, #tpu.memory_space<vmem>> -> memref<1x8x128xi32, #tpu.memory_space<vmem>>
      %dma_wait3A_139 = tpu.memref_squeeze %dma_wait3A_138 : memref<1x8x128xi32, #tpu.memory_space<vmem>> -> memref<8x128xi32, #tpu.memory_space<vmem>>
      %dma_wait3A_140 = arith.constant 0 : i32
      %dma_wait3A_141 = tpu.memref_slice %arg2[%dma_wait3A_140, %mul3A_2] : memref<200x4096xi32, #tpu.memory_space<hbm>> -> memref<8x128xi32, #tpu.memory_space<hbm>>
      tpu.wait_dma2 semaphore(%run_scoped3A_117 : memref<!tpu.dma_semaphore, #tpu.memory_space<semaphore_mem>>) src(%dma_wait3A_141 : memref<8x128xi32, #tpu.memory_space<hbm>>) dst(%dma_wait3A_139 : memref<8x128xi32, #tpu.memory_space<vmem>>)
      tpu.yield
    }) : () -> ()
    %run_scoped3A_3 = arith.constant 1 : i32
    "tpu.region"() ({
      %run_scoped3A_117 = tpu.sem_alloc : memref<!tpu.dma_semaphore, #tpu.memory_space<semaphore_mem>>
      %dma_start3A_118 = arith.constant 0 : i32
      %dma_start3A_119 = arith.constant 0 : i32
      %dma_start3A_120 = tpu.memref_slice %arg5[%run_scoped3A_3, %dma_start3A_118, %dma_start3A_119] : memref<25x8x128xi32, #tpu.memory_space<vmem>> -> memref<1x8x128xi32, #tpu.memory_space<vmem>>
      %dma_start3A_121 = tpu.memref_squeeze %dma_start3A_120 : memref<1x8x128xi32, #tpu.memory_space<vmem>> -> memref<8x128xi32, #tpu.memory_space<vmem>>
      %dma_start3A_122 = arith.constant 8 : i32
      %dma_start3A_123 = tpu.memref_slice %arg2[%dma_start3A_122, %mul3A_2] : memref<200x4096xi32, #tpu.memory_space<hbm>> -> memref<8x128xi32, #tpu.memory_space<hbm>>
      %dma_start3A_124 = arith.constant 0 : i32
      %dma_start3A_125 = arith.constant 0 : i32
      %dma_start3A_126 = tpu.memref_slice %arg5[%run_scoped3A_3, %dma_start3A_124, %dma_start3A_125] : memref<25x8x128xi32, #tpu.memory_space<vmem>> -> memref<1x8x128xi32, #tpu.memory_space<vmem>>
      %dma_start3A_127 = tpu.memref_squeeze %dma_start3A_126 : memref<1x8x128xi32, #tpu.memory_space<vmem>> -> memref<8x128xi32, #tpu.memory_space<vmem>>
      %dma_start3A_128 = arith.constant 8 : i32
      %dma_start3A_129 = tpu.memref_slice %arg2[%dma_start3A_128, %mul3A_2] : memref<200x4096xi32, #tpu.memory_space<hbm>> -> memref<8x128xi32, #tpu.memory_space<hbm>>
      tpu.enqueue_dma source(%dma_start3A_129 : memref<8x128xi32, #tpu.memory_space<hbm>>) target(%dma_start3A_127 : memref<8x128xi32, #tpu.memory_space<vmem>>) target_semaphore(%run_scoped3A_117 : memref<!tpu.dma_semaphore, #tpu.memory_space<semaphore_mem>>)
      %dma_wait3A_130 = arith.constant 0 : i32
      %dma_wait3A_131 = arith.constant 0 : i32
      %dma_wait3A_132 = tpu.memref_slice %arg5[%run_scoped3A_3, %dma_wait3A_130, %dma_wait3A_131] : memref<25x8x128xi32, #tpu.memory_space<vmem>> -> memref<1x8x128xi32, #tpu.memory_space<vmem>>
      %dma_wait3A_133 = tpu.memref_squeeze %dma_wait3A_132 : memref<1x8x128xi32, #tpu.memory_space<vmem>> -> memref<8x128xi32, #tpu.memory_space<vmem>>
      %dma_wait3A_134 = arith.constant 8 : i32
      %dma_wait3A_135 = tpu.memref_slice %arg2[%dma_wait3A_134, %mul3A_2] : memref<200x4096xi32, #tpu.memory_space<hbm>> -> memref<8x128xi32, #tpu.memory_space<hbm>>
      %dma_wait3A_136 = arith.constant 0 : i32
      %dma_wait3A_137 = arith.constant 0 : i32
      %dma_wait3A_138 = tpu.memref_slice %arg5[%run_scoped3A_3, %dma_wait3A_136, %dma_wait3A_137] : memref<25x8x128xi32, #tpu.memory_space<vmem>> -> memref<1x8x128xi32, #tpu.memory_space<vmem>>
      %dma_wait3A_139 = tpu.memref_squeeze %dma_wait3A_138 : memref<1x8x128xi32, #tpu.memory_space<vmem>> -> memref<8x128xi32, #tpu.memory_space<vmem>>
      %dma_wait3A_140 = arith.constant 8 : i32
      %dma_wait3A_141 = tpu.memref_slice %arg2[%dma_wait3A_140, %mul3A_2] : memref<200x4096xi32, #tpu.memory_space<hbm>> -> memref<8x128xi32, #tpu.memory_space<hbm>>
      tpu.wait_dma2 semaphore(%run_scoped3A_117 : memref<!tpu.dma_semaphore, #tpu.memory_space<semaphore_mem>>) src(%dma_wait3A_141 : memref<8x128xi32, #tpu.memory_space<hbm>>) dst(%dma_wait3A_139 : memref<8x128xi32, #tpu.memory_space<vmem>>)
      tpu.yield
    }) : () -> ()
    %run_scoped3A_4 = arith.constant 2 : i32
    "tpu.region"() ({
      %run_scoped3A_117 = tpu.sem_alloc : memref<!tpu.dma_semaphore, #tpu.memory_space<semaphore_mem>>
      %dma_start3A_118 = arith.constant 0 : i32
      %dma_start3A_119 = arith.constant 0 : i32
      %dma_start3A_120 = tpu.memref_slice %arg5[%run_scoped3A_4, %dma_start3A_118, %dma_start3A_119] : memref<25x8x128xi32, #tpu.memory_space<vmem>> -> memref<1x8x128xi32, #tpu.memory_space<vmem>>
      %dma_start3A_121 = tpu.memref_squeeze %dma_start3A_120 : memref<1x8x128xi32, #tpu.memory_space<vmem>> -> memref<8x128xi32, #tpu.memory_space<vmem>>
      %dma_start3A_122 = arith.constant 16 : i32
      %dma_start3A_123 = tpu.memref_slice %arg2[%dma_start3A_122, %mul3A_2] : memref<200x4096xi32, #tpu.memory_space<hbm>> -> memref<8x128xi32, #tpu.memory_space<hbm>>
      %dma_start3A_124 = arith.constant 0 : i32
      %dma_start3A_125 = arith.constant 0 : i32
      %dma_start3A_126 = tpu.memref_slice %arg5[%run_scoped3A_4, %dma_start3A_124, %dma_start3A_125] : memref<25x8x128xi32, #tpu.memory_space<vmem>> -> memref<1x8x128xi32, #tpu.memory_space<vmem>>
      %dma_start3A_127 = tpu.memref_squeeze %dma_start3A_126 : memref<1x8x128xi32, #tpu.memory_space<vmem>> -> memref<8x128xi32, #tpu.memory_space<vmem>>
      %dma_start3A_128 = arith.constant 16 : i32
      %dma_start3A_129 = tpu.memref_slice %arg2[%dma_start3A_128, %mul3A_2] : memref<200x4096xi32, #tpu.memory_space<hbm>> -> memref<8x128xi32, #tpu.memory_space<hbm>>
      tpu.enqueue_dma source(%dma_start3A_129 : memref<8x128xi32, #tpu.memory_space<hbm>>) target(%dma_start3A_127 : memref<8x128xi32, #tpu.memory_space<vmem>>) target_semaphore(%run_scoped3A_117 : memref<!tpu.dma_semaphore, #tpu.memory_space<semaphore_mem>>)
      %dma_wait3A_130 = arith.constant 0 : i32
      %dma_wait3A_131 = arith.constant 0 : i32
      %dma_wait3A_132 = tpu.memref_slice %arg5[%run_scoped3A_4, %dma_wait3A_130, %dma_wait3A_131] : memref<25x8x128xi32, #tpu.memory_space<vmem>> -> memref<1x8x128xi32, #tpu.memory_space<vmem>>
      %dma_wait3A_133 = tpu.memref_squeeze %dma_wait3A_132 : memref<1x8x128xi32, #tpu.memory_space<vmem>> -> memref<8x128xi32, #tpu.memory_space<vmem>>
      %dma_wait3A_134 = arith.constant 16 : i32
      %dma_wait3A_135 = tpu.memref_slice %arg2[%dma_wait3A_134, %mul3A_2] : memref<200x4096xi32, #tpu.memory_space<hbm>> -> memref<8x128xi32, #tpu.memory_space<hbm>>
      %dma_wait3A_136 = arith.constant 0 : i32
      %dma_wait3A_137 = arith.constant 0 : i32
      %dma_wait3A_138 = tpu.memref_slice %arg5[%run_scoped3A_4, %dma_wait3A_136, %dma_wait3A_137] : memref<25x8x128xi32, #tpu.memory_space<vmem>> -> memref<1x8x128xi32, #tpu.memory_space<vmem>>
      %dma_wait3A_139 = tpu.memref_squeeze %dma_wait3A_138 : memref<1x8x128xi32, #tpu.memory_space<vmem>> -> memref<8x128xi32, #tpu.memory_space<vmem>>
      %dma_wait3A_140 = arith.constant 16 : i32
      %dma_wait3A_141 = tpu.memref_slice %arg2[%dma_wait3A_140, %mul3A_2] : memref<200x4096xi32, #tpu.memory_space<hbm>> -> memref<8x128xi32, #tpu.memory_space<hbm>>
      tpu.wait_dma2 semaphore(%run_scoped3A_117 : memref<!tpu.dma_semaphore, #tpu.memory_space<semaphore_mem>>) src(%dma_wait3A_141 : memref<8x128xi32, #tpu.memory_space<hbm>>) dst(%dma_wait3A_139 : memref<8x128xi32, #tpu.memory_space<vmem>>)
      tpu.yield
    }) : () -> ()
    %run_scoped3A_5 = arith.constant 3 : i32
    "tpu.region"() ({
      %run_scoped3A_117 = tpu.sem_alloc : memref<!tpu.dma_semaphore, #tpu.memory_space<semaphore_mem>>
      %dma_start3A_118 = arith.constant 0 : i32
      %dma_start3A_119 = arith.constant 0 : i32
      %dma_start3A_120 = tpu.memref_slice %arg5[%run_scoped3A_5, %dma_start3A_118, %dma_start3A_119] : memref<25x8x128xi32, #tpu.memory_space<vmem>> -> memref<1x8x128xi32, #tpu.memory_space<vmem>>
      %dma_start3A_121 = tpu.memref_squeeze %dma_start3A_120 : memref<1x8x128xi32, #tpu.memory_space<vmem>> -> memref<8x128xi32, #tpu.memory_space<vmem>>
      %dma_start3A_122 = arith.constant 24 : i32
      %dma_start3A_123 = tpu.memref_slice %arg2[%dma_start3A_122, %mul3A_2] : memref<200x4096xi32, #tpu.memory_space<hbm>> -> memref<8x128xi32, #tpu.memory_space<hbm>>
      %dma_start3A_124 = arith.constant 0 : i32
      %dma_start3A_125 = arith.constant 0 : i32
      %dma_start3A_126 = tpu.memref_slice %arg5[%run_scoped3A_5, %dma_start3A_124, %dma_start3A_125] : memref<25x8x128xi32, #tpu.memory_space<vmem>> -> memref<1x8x128xi32, #tpu.memory_space<vmem>>
      %dma_start3A_127 = tpu.memref_squeeze %dma_start3A_126 : memref<1x8x128xi32, #tpu.memory_space<vmem>> -> memref<8x128xi32, #tpu.memory_space<vmem>>
      %dma_start3A_128 = arith.constant 24 : i32
      %dma_start3A_129 = tpu.memref_slice %arg2[%dma_start3A_128, %mul3A_2] : memref<200x4096xi32, #tpu.memory_space<hbm>> -> memref<8x128xi32, #tpu.memory_space<hbm>>
      tpu.enqueue_dma source(%dma_start3A_129 : memref<8x128xi32, #tpu.memory_space<hbm>>) target(%dma_start3A_127 : memref<8x128xi32, #tpu.memory_space<vmem>>) target_semaphore(%run_scoped3A_117 : memref<!tpu.dma_semaphore, #tpu.memory_space<semaphore_mem>>)
      %dma_wait3A_130 = arith.constant 0 : i32
      %dma_wait3A_131 = arith.constant 0 : i32
      %dma_wait3A_132 = tpu.memref_slice %arg5[%run_scoped3A_5, %dma_wait3A_130, %dma_wait3A_131] : memref<25x8x128xi32, #tpu.memory_space<vmem>> -> memref<1x8x128xi32, #tpu.memory_space<vmem>>
      %dma_wait3A_133 = tpu.memref_squeeze %dma_wait3A_132 : memref<1x8x128xi32, #tpu.memory_space<vmem>> -> memref<8x128xi32, #tpu.memory_space<vmem>>
      %dma_wait3A_134 = arith.constant 24 : i32
      %dma_wait3A_135 = tpu.memref_slice %arg2[%dma_wait3A_134, %mul3A_2] : memref<200x4096xi32, #tpu.memory_space<hbm>> -> memref<8x128xi32, #tpu.memory_space<hbm>>
      %dma_wait3A_136 = arith.constant 0 : i32
      %dma_wait3A_137 = arith.constant 0 : i32
      %dma_wait3A_138 = tpu.memref_slice %arg5[%run_scoped3A_5, %dma_wait3A_136, %dma_wait3A_137] : memref<25x8x128xi32, #tpu.memory_space<vmem>> -> memref<1x8x128xi32, #tpu.memory_space<vmem>>
      %dma_wait3A_139 = tpu.memref_squeeze %dma_wait3A_138 : memref<1x8x128xi32, #tpu.memory_space<vmem>> -> memref<8x128xi32, #tpu.memory_space<vmem>>
      %dma_wait3A_140 = arith.constant 24 : i32
      %dma_wait3A_141 = tpu.memref_slice %arg2[%dma_wait3A_140, %mul3A_2] : memref<200x4096xi32, #tpu.memory_space<hbm>> -> memref<8x128xi32, #tpu.memory_space<hbm>>
      tpu.wait_dma2 semaphore(%run_scoped3A_117 : memref<!tpu.dma_semaphore, #tpu.memory_space<semaphore_mem>>) src(%dma_wait3A_141 : memref<8x128xi32, #tpu.memory_space<hbm>>) dst(%dma_wait3A_139 : memref<8x128xi32, #tpu.memory_space<vmem>>)
      tpu.yield
    }) : () -> ()
    %run_scoped3A_6 = arith.constant 4 : i32
    "tpu.region"() ({
      %run_scoped3A_117 = tpu.sem_alloc : memref<!tpu.dma_semaphore, #tpu.memory_space<semaphore_mem>>
      %dma_start3A_118 = arith.constant 0 : i32
      %dma_start3A_119 = arith.constant 0 : i32
      %dma_start3A_120 = tpu.memref_slice %arg5[%run_scoped3A_6, %dma_start3A_118, %dma_start3A_119] : memref<25x8x128xi32, #tpu.memory_space<vmem>> -> memref<1x8x128xi32, #tpu.memory_space<vmem>>
      %dma_start3A_121 = tpu.memref_squeeze %dma_start3A_120 : memref<1x8x128xi32, #tpu.memory_space<vmem>> -> memref<8x128xi32, #tpu.memory_space<vmem>>
      %dma_start3A_122 = arith.constant 32 : i32
      %dma_start3A_123 = tpu.memref_slice %arg2[%dma_start3A_122, %mul3A_2] : memref<200x4096xi32, #tpu.memory_space<hbm>> -> memref<8x128xi32, #tpu.memory_space<hbm>>
      %dma_start3A_124 = arith.constant 0 : i32
      %dma_start3A_125 = arith.constant 0 : i32
      %dma_start3A_126 = tpu.memref_slice %arg5[%run_scoped3A_6, %dma_start3A_124, %dma_start3A_125] : memref<25x8x128xi32, #tpu.memory_space<vmem>> -> memref<1x8x128xi32, #tpu.memory_space<vmem>>
      %dma_start3A_127 = tpu.memref_squeeze %dma_start3A_126 : memref<1x8x128xi32, #tpu.memory_space<vmem>> -> memref<8x128xi32, #tpu.memory_space<vmem>>
      %dma_start3A_128 = arith.constant 32 : i32
      %dma_start3A_129 = tpu.memref_slice %arg2[%dma_start3A_128, %mul3A_2] : memref<200x4096xi32, #tpu.memory_space<hbm>> -> memref<8x128xi32, #tpu.memory_space<hbm>>
      tpu.enqueue_dma source(%dma_start3A_129 : memref<8x128xi32, #tpu.memory_space<hbm>>) target(%dma_start3A_127 : memref<8x128xi32, #tpu.memory_space<vmem>>) target_semaphore(%run_scoped3A_117 : memref<!tpu.dma_semaphore, #tpu.memory_space<semaphore_mem>>)
      %dma_wait3A_130 = arith.constant 0 : i32
      %dma_wait3A_131 = arith.constant 0 : i32
      %dma_wait3A_132 = tpu.memref_slice %arg5[%run_scoped3A_6, %dma_wait3A_130, %dma_wait3A_131] : memref<25x8x128xi32, #tpu.memory_space<vmem>> -> memref<1x8x128xi32, #tpu.memory_space<vmem>>
      %dma_wait3A_133 = tpu.memref_squeeze %dma_wait3A_132 : memref<1x8x128xi32, #tpu.memory_space<vmem>> -> memref<8x128xi32, #tpu.memory_space<vmem>>
      %dma_wait3A_134 = arith.constant 32 : i32
      %dma_wait3A_135 = tpu.memref_slice %arg2[%dma_wait3A_134, %mul3A_2] : memref<200x4096xi32, #tpu.memory_space<hbm>> -> memref<8x128xi32, #tpu.memory_space<hbm>>
      %dma_wait3A_136 = arith.constant 0 : i32
      %dma_wait3A_137 = arith.constant 0 : i32
      %dma_wait3A_138 = tpu.memref_slice %arg5[%run_scoped3A_6, %dma_wait3A_136, %dma_wait3A_137] : memref<25x8x128xi32, #tpu.memory_space<vmem>> -> memref<1x8x128xi32, #tpu.memory_space<vmem>>
      %dma_wait3A_139 = tpu.memref_squeeze %dma_wait3A_138 : memref<1x8x128xi32, #tpu.memory_space<vmem>> -> memref<8x128xi32, #tpu.memory_space<vmem>>
      %dma_wait3A_140 = arith.constant 32 : i32
      %dma_wait3A_141 = tpu.memref_slice %arg2[%dma_wait3A_140, %mul3A_2] : memref<200x4096xi32, #tpu.memory_space<hbm>> -> memref<8x128xi32, #tpu.memory_space<hbm>>
      tpu.wait_dma2 semaphore(%run_scoped3A_117 : memref<!tpu.dma_semaphore, #tpu.memory_space<semaphore_mem>>) src(%dma_wait3A_141 : memref<8x128xi32, #tpu.memory_space<hbm>>) dst(%dma_wait3A_139 : memref<8x128xi32, #tpu.memory_space<vmem>>)
      tpu.yield
    }) : () -> ()
    %run_scoped3A_7 = arith.constant 5 : i32
    "tpu.region"() ({
      %run_scoped3A_117 = tpu.sem_alloc : memref<!tpu.dma_semaphore, #tpu.memory_space<semaphore_mem>>
      %dma_start3A_118 = arith.constant 0 : i32
      %dma_start3A_119 = arith.constant 0 : i32
      %dma_start3A_120 = tpu.memref_slice %arg5[%run_scoped3A_7, %dma_start3A_118, %dma_start3A_119] : memref<25x8x128xi32, #tpu.memory_space<vmem>> -> memref<1x8x128xi32, #tpu.memory_space<vmem>>
      %dma_start3A_121 = tpu.memref_squeeze %dma_start3A_120 : memref<1x8x128xi32, #tpu.memory_space<vmem>> -> memref<8x128xi32, #tpu.memory_space<vmem>>
      %dma_start3A_122 = arith.constant 40 : i32
      %dma_start3A_123 = tpu.memref_slice %arg2[%dma_start3A_122, %mul3A_2] : memref<200x4096xi32, #tpu.memory_space<hbm>> -> memref<8x128xi32, #tpu.memory_space<hbm>>
      %dma_start3A_124 = arith.constant 0 : i32
      %dma_start3A_125 = arith.constant 0 : i32
      %dma_start3A_126 = tpu.memref_slice %arg5[%run_scoped3A_7, %dma_start3A_124, %dma_start3A_125] : memref<25x8x128xi32, #tpu.memory_space<vmem>> -> memref<1x8x128xi32, #tpu.memory_space<vmem>>
      %dma_start3A_127 = tpu.memref_squeeze %dma_start3A_126 : memref<1x8x128xi32, #tpu.memory_space<vmem>> -> memref<8x128xi32, #tpu.memory_space<vmem>>
      %dma_start3A_128 = arith.constant 40 : i32
      %dma_start3A_129 = tpu.memref_slice %arg2[%dma_start3A_128, %mul3A_2] : memref<200x4096xi32, #tpu.memory_space<hbm>> -> memref<8x128xi32, #tpu.memory_space<hbm>>
      tpu.enqueue_dma source(%dma_start3A_129 : memref<8x128xi32, #tpu.memory_space<hbm>>) target(%dma_start3A_127 : memref<8x128xi32, #tpu.memory_space<vmem>>) target_semaphore(%run_scoped3A_117 : memref<!tpu.dma_semaphore, #tpu.memory_space<semaphore_mem>>)
      %dma_wait3A_130 = arith.constant 0 : i32
      %dma_wait3A_131 = arith.constant 0 : i32
      %dma_wait3A_132 = tpu.memref_slice %arg5[%run_scoped3A_7, %dma_wait3A_130, %dma_wait3A_131] : memref<25x8x128xi32, #tpu.memory_space<vmem>> -> memref<1x8x128xi32, #tpu.memory_space<vmem>>
      %dma_wait3A_133 = tpu.memref_squeeze %dma_wait3A_132 : memref<1x8x128xi32, #tpu.memory_space<vmem>> -> memref<8x128xi32, #tpu.memory_space<vmem>>
      %dma_wait3A_134 = arith.constant 40 : i32
      %dma_wait3A_135 = tpu.memref_slice %arg2[%dma_wait3A_134, %mul3A_2] : memref<200x4096xi32, #tpu.memory_space<hbm>> -> memref<8x128xi32, #tpu.memory_space<hbm>>
      %dma_wait3A_136 = arith.constant 0 : i32
      %dma_wait3A_137 = arith.constant 0 : i32
      %dma_wait3A_138 = tpu.memref_slice %arg5[%run_scoped3A_7, %dma_wait3A_136, %dma_wait3A_137] : memref<25x8x128xi32, #tpu.memory_space<vmem>> -> memref<1x8x128xi32, #tpu.memory_space<vmem>>
      %dma_wait3A_139 = tpu.memref_squeeze %dma_wait3A_138 : memref<1x8x128xi32, #tpu.memory_space<vmem>> -> memref<8x128xi32, #tpu.memory_space<vmem>>
      %dma_wait3A_140 = arith.constant 40 : i32
      %dma_wait3A_141 = tpu.memref_slice %arg2[%dma_wait3A_140, %mul3A_2] : memref<200x4096xi32, #tpu.memory_space<hbm>> -> memref<8x128xi32, #tpu.memory_space<hbm>>
      tpu.wait_dma2 semaphore(%run_scoped3A_117 : memref<!tpu.dma_semaphore, #tpu.memory_space<semaphore_mem>>) src(%dma_wait3A_141 : memref<8x128xi32, #tpu.memory_space<hbm>>) dst(%dma_wait3A_139 : memref<8x128xi32, #tpu.memory_space<vmem>>)
      tpu.yield
    }) : () -> ()
    %run_scoped3A_8 = arith.constant 6 : i32
    "tpu.region"() ({
      %run_scoped3A_117 = tpu.sem_alloc : memref<!tpu.dma_semaphore, #tpu.memory_space<semaphore_mem>>
      %dma_start3A_118 = arith.constant 0 : i32
      %dma_start3A_119 = arith.constant 0 : i32
      %dma_start3A_120 = tpu.memref_slice %arg5[%run_scoped3A_8, %dma_start3A_118, %dma_start3A_119] : memref<25x8x128xi32, #tpu.memory_space<vmem>> -> memref<1x8x128xi32, #tpu.memory_space<vmem>>
      %dma_start3A_121 = tpu.memref_squeeze %dma_start3A_120 : memref<1x8x128xi32, #tpu.memory_space<vmem>> -> memref<8x128xi32, #tpu.memory_space<vmem>>
      %dma_start3A_122 = arith.constant 48 : i32
      %dma_start3A_123 = tpu.memref_slice %arg2[%dma_start3A_122, %mul3A_2] : memref<200x4096xi32, #tpu.memory_space<hbm>> -> memref<8x128xi32, #tpu.memory_space<hbm>>
      %dma_start3A_124 = arith.constant 0 : i32
      %dma_start3A_125 = arith.constant 0 : i32
      %dma_start3A_126 = tpu.memref_slice %arg5[%run_scoped3A_8, %dma_start3A_124, %dma_start3A_125] : memref<25x8x128xi32, #tpu.memory_space<vmem>> -> memref<1x8x128xi32, #tpu.memory_space<vmem>>
      %dma_start3A_127 = tpu.memref_squeeze %dma_start3A_126 : memref<1x8x128xi32, #tpu.memory_space<vmem>> -> memref<8x128xi32, #tpu.memory_space<vmem>>
      %dma_start3A_128 = arith.constant 48 : i32
      %dma_start3A_129 = tpu.memref_slice %arg2[%dma_start3A_128, %mul3A_2] : memref<200x4096xi32, #tpu.memory_space<hbm>> -> memref<8x128xi32, #tpu.memory_space<hbm>>
      tpu.enqueue_dma source(%dma_start3A_129 : memref<8x128xi32, #tpu.memory_space<hbm>>) target(%dma_start3A_127 : memref<8x128xi32, #tpu.memory_space<vmem>>) target_semaphore(%run_scoped3A_117 : memref<!tpu.dma_semaphore, #tpu.memory_space<semaphore_mem>>)
      %dma_wait3A_130 = arith.constant 0 : i32
      %dma_wait3A_131 = arith.constant 0 : i32
      %dma_wait3A_132 = tpu.memref_slice %arg5[%run_scoped3A_8, %dma_wait3A_130, %dma_wait3A_131] : memref<25x8x128xi32, #tpu.memory_space<vmem>> -> memref<1x8x128xi32, #tpu.memory_space<vmem>>
      %dma_wait3A_133 = tpu.memref_squeeze %dma_wait3A_132 : memref<1x8x128xi32, #tpu.memory_space<vmem>> -> memref<8x128xi32, #tpu.memory_space<vmem>>
      %dma_wait3A_134 = arith.constant 48 : i32
      %dma_wait3A_135 = tpu.memref_slice %arg2[%dma_wait3A_134, %mul3A_2] : memref<200x4096xi32, #tpu.memory_space<hbm>> -> memref<8x128xi32, #tpu.memory_space<hbm>>
      %dma_wait3A_136 = arith.constant 0 : i32
      %dma_wait3A_137 = arith.constant 0 : i32
      %dma_wait3A_138 = tpu.memref_slice %arg5[%run_scoped3A_8, %dma_wait3A_136, %dma_wait3A_137] : memref<25x8x128xi32, #tpu.memory_space<vmem>> -> memref<1x8x128xi32, #tpu.memory_space<vmem>>
      %dma_wait3A_139 = tpu.memref_squeeze %dma_wait3A_138 : memref<1x8x128xi32, #tpu.memory_space<vmem>> -> memref<8x128xi32, #tpu.memory_space<vmem>>
      %dma_wait3A_140 = arith.constant 48 : i32
      %dma_wait3A_141 = tpu.memref_slice %arg2[%dma_wait3A_140, %mul3A_2] : memref<200x4096xi32, #tpu.memory_space<hbm>> -> memref<8x128xi32, #tpu.memory_space<hbm>>
      tpu.wait_dma2 semaphore(%run_scoped3A_117 : memref<!tpu.dma_semaphore, #tpu.memory_space<semaphore_mem>>) src(%dma_wait3A_141 : memref<8x128xi32, #tpu.memory_space<hbm>>) dst(%dma_wait3A_139 : memref<8x128xi32, #tpu.memory_space<vmem>>)
      tpu.yield
    }) : () -> ()
    %run_scoped3A_9 = arith.constant 7 : i32
    "tpu.region"() ({
      %run_scoped3A_117 = tpu.sem_alloc : memref<!tpu.dma_semaphore, #tpu.memory_space<semaphore_mem>>
      %dma_start3A_118 = arith.constant 0 : i32
      %dma_start3A_119 = arith.constant 0 : i32
      %dma_start3A_120 = tpu.memref_slice %arg5[%run_scoped3A_9, %dma_start3A_118, %dma_start3A_119] : memref<25x8x128xi32, #tpu.memory_space<vmem>> -> memref<1x8x128xi32, #tpu.memory_space<vmem>>
      %dma_start3A_121 = tpu.memref_squeeze %dma_start3A_120 : memref<1x8x128xi32, #tpu.memory_space<vmem>> -> memref<8x128xi32, #tpu.memory_space<vmem>>
      %dma_start3A_122 = arith.constant 56 : i32
      %dma_start3A_123 = tpu.memref_slice %arg2[%dma_start3A_122, %mul3A_2] : memref<200x4096xi32, #tpu.memory_space<hbm>> -> memref<8x128xi32, #tpu.memory_space<hbm>>
      %dma_start3A_124 = arith.constant 0 : i32
      %dma_start3A_125 = arith.constant 0 : i32
      %dma_start3A_126 = tpu.memref_slice %arg5[%run_scoped3A_9, %dma_start3A_124, %dma_start3A_125] : memref<25x8x128xi32, #tpu.memory_space<vmem>> -> memref<1x8x128xi32, #tpu.memory_space<vmem>>
      %dma_start3A_127 = tpu.memref_squeeze %dma_start3A_126 : memref<1x8x128xi32, #tpu.memory_space<vmem>> -> memref<8x128xi32, #tpu.memory_space<vmem>>
      %dma_start3A_128 = arith.constant 56 : i32
      %dma_start3A_129 = tpu.memref_slice %arg2[%dma_start3A_128, %mul3A_2] : memref<200x4096xi32, #tpu.memory_space<hbm>> -> memref<8x128xi32, #tpu.memory_space<hbm>>
      tpu.enqueue_dma source(%dma_start3A_129 : memref<8x128xi32, #tpu.memory_space<hbm>>) target(%dma_start3A_127 : memref<8x128xi32, #tpu.memory_space<vmem>>) target_semaphore(%run_scoped3A_117 : memref<!tpu.dma_semaphore, #tpu.memory_space<semaphore_mem>>)
      %dma_wait3A_130 = arith.constant 0 : i32
      %dma_wait3A_131 = arith.constant 0 : i32
      %dma_wait3A_132 = tpu.memref_slice %arg5[%run_scoped3A_9, %dma_wait3A_130, %dma_wait3A_131] : memref<25x8x128xi32, #tpu.memory_space<vmem>> -> memref<1x8x128xi32, #tpu.memory_space<vmem>>
      %dma_wait3A_133 = tpu.memref_squeeze %dma_wait3A_132 : memref<1x8x128xi32, #tpu.memory_space<vmem>> -> memref<8x128xi32, #tpu.memory_space<vmem>>
      %dma_wait3A_134 = arith.constant 56 : i32
      %dma_wait3A_135 = tpu.memref_slice %arg2[%dma_wait3A_134, %mul3A_2] : memref<200x4096xi32, #tpu.memory_space<hbm>> -> memref<8x128xi32, #tpu.memory_space<hbm>>
      %dma_wait3A_136 = arith.constant 0 : i32
      %dma_wait3A_137 = arith.constant 0 : i32
      %dma_wait3A_138 = tpu.memref_slice %arg5[%run_scoped3A_9, %dma_wait3A_136, %dma_wait3A_137] : memref<25x8x128xi32, #tpu.memory_space<vmem>> -> memref<1x8x128xi32, #tpu.memory_space<vmem>>
      %dma_wait3A_139 = tpu.memref_squeeze %dma_wait3A_138 : memref<1x8x128xi32, #tpu.memory_space<vmem>> -> memref<8x128xi32, #tpu.memory_space<vmem>>
      %dma_wait3A_140 = arith.constant 56 : i32
      %dma_wait3A_141 = tpu.memref_slice %arg2[%dma_wait3A_140, %mul3A_2] : memref<200x4096xi32, #tpu.memory_space<hbm>> -> memref<8x128xi32, #tpu.memory_space<hbm>>
      tpu.wait_dma2 semaphore(%run_scoped3A_117 : memref<!tpu.dma_semaphore, #tpu.memory_space<semaphore_mem>>) src(%dma_wait3A_141 : memref<8x128xi32, #tpu.memory_space<hbm>>) dst(%dma_wait3A_139 : memref<8x128xi32, #tpu.memory_space<vmem>>)
      tpu.yield
    }) : () -> ()
    %run_scoped3A_10 = arith.constant 8 : i32
    "tpu.region"() ({
      %run_scoped3A_117 = tpu.sem_alloc : memref<!tpu.dma_semaphore, #tpu.memory_space<semaphore_mem>>
      %dma_start3A_118 = arith.constant 0 : i32
      %dma_start3A_119 = arith.constant 0 : i32
      %dma_start3A_120 = tpu.memref_slice %arg5[%run_scoped3A_10, %dma_start3A_118, %dma_start3A_119] : memref<25x8x128xi32, #tpu.memory_space<vmem>> -> memref<1x8x128xi32, #tpu.memory_space<vmem>>
      %dma_start3A_121 = tpu.memref_squeeze %dma_start3A_120 : memref<1x8x128xi32, #tpu.memory_space<vmem>> -> memref<8x128xi32, #tpu.memory_space<vmem>>
      %dma_start3A_122 = arith.constant 64 : i32
      %dma_start3A_123 = tpu.memref_slice %arg2[%dma_start3A_122, %mul3A_2] : memref<200x4096xi32, #tpu.memory_space<hbm>> -> memref<8x128xi32, #tpu.memory_space<hbm>>
      %dma_start3A_124 = arith.constant 0 : i32
      %dma_start3A_125 = arith.constant 0 : i32
      %dma_start3A_126 = tpu.memref_slice %arg5[%run_scoped3A_10, %dma_start3A_124, %dma_start3A_125] : memref<25x8x128xi32, #tpu.memory_space<vmem>> -> memref<1x8x128xi32, #tpu.memory_space<vmem>>
      %dma_start3A_127 = tpu.memref_squeeze %dma_start3A_126 : memref<1x8x128xi32, #tpu.memory_space<vmem>> -> memref<8x128xi32, #tpu.memory_space<vmem>>
      %dma_start3A_128 = arith.constant 64 : i32
      %dma_start3A_129 = tpu.memref_slice %arg2[%dma_start3A_128, %mul3A_2] : memref<200x4096xi32, #tpu.memory_space<hbm>> -> memref<8x128xi32, #tpu.memory_space<hbm>>
      tpu.enqueue_dma source(%dma_start3A_129 : memref<8x128xi32, #tpu.memory_space<hbm>>) target(%dma_start3A_127 : memref<8x128xi32, #tpu.memory_space<vmem>>) target_semaphore(%run_scoped3A_117 : memref<!tpu.dma_semaphore, #tpu.memory_space<semaphore_mem>>)
      %dma_wait3A_130 = arith.constant 0 : i32
      %dma_wait3A_131 = arith.constant 0 : i32
      %dma_wait3A_132 = tpu.memref_slice %arg5[%run_scoped3A_10, %dma_wait3A_130, %dma_wait3A_131] : memref<25x8x128xi32, #tpu.memory_space<vmem>> -> memref<1x8x128xi32, #tpu.memory_space<vmem>>
      %dma_wait3A_133 = tpu.memref_squeeze %dma_wait3A_132 : memref<1x8x128xi32, #tpu.memory_space<vmem>> -> memref<8x128xi32, #tpu.memory_space<vmem>>
      %dma_wait3A_134 = arith.constant 64 : i32
      %dma_wait3A_135 = tpu.memref_slice %arg2[%dma_wait3A_134, %mul3A_2] : memref<200x4096xi32, #tpu.memory_space<hbm>> -> memref<8x128xi32, #tpu.memory_space<hbm>>
      %dma_wait3A_136 = arith.constant 0 : i32
      %dma_wait3A_137 = arith.constant 0 : i32
      %dma_wait3A_138 = tpu.memref_slice %arg5[%run_scoped3A_10, %dma_wait3A_136, %dma_wait3A_137] : memref<25x8x128xi32, #tpu.memory_space<vmem>> -> memref<1x8x128xi32, #tpu.memory_space<vmem>>
      %dma_wait3A_139 = tpu.memref_squeeze %dma_wait3A_138 : memref<1x8x128xi32, #tpu.memory_space<vmem>> -> memref<8x128xi32, #tpu.memory_space<vmem>>
      %dma_wait3A_140 = arith.constant 64 : i32
      %dma_wait3A_141 = tpu.memref_slice %arg2[%dma_wait3A_140, %mul3A_2] : memref<200x4096xi32, #tpu.memory_space<hbm>> -> memref<8x128xi32, #tpu.memory_space<hbm>>
      tpu.wait_dma2 semaphore(%run_scoped3A_117 : memref<!tpu.dma_semaphore, #tpu.memory_space<semaphore_mem>>) src(%dma_wait3A_141 : memref<8x128xi32, #tpu.memory_space<hbm>>) dst(%dma_wait3A_139 : memref<8x128xi32, #tpu.memory_space<vmem>>)
      tpu.yield
    }) : () -> ()
    %run_scoped3A_11 = arith.constant 9 : i32
    "tpu.region"() ({
      %run_scoped3A_117 = tpu.sem_alloc : memref<!tpu.dma_semaphore, #tpu.memory_space<semaphore_mem>>
      %dma_start3A_118 = arith.constant 0 : i32
      %dma_start3A_119 = arith.constant 0 : i32
      %dma_start3A_120 = tpu.memref_slice %arg5[%run_scoped3A_11, %dma_start3A_118, %dma_start3A_119] : memref<25x8x128xi32, #tpu.memory_space<vmem>> -> memref<1x8x128xi32, #tpu.memory_space<vmem>>
      %dma_start3A_121 = tpu.memref_squeeze %dma_start3A_120 : memref<1x8x128xi32, #tpu.memory_space<vmem>> -> memref<8x128xi32, #tpu.memory_space<vmem>>
      %dma_start3A_122 = arith.constant 72 : i32
      %dma_start3A_123 = tpu.memref_slice %arg2[%dma_start3A_122, %mul3A_2] : memref<200x4096xi32, #tpu.memory_space<hbm>> -> memref<8x128xi32, #tpu.memory_space<hbm>>
      %dma_start3A_124 = arith.constant 0 : i32
      %dma_start3A_125 = arith.constant 0 : i32
      %dma_start3A_126 = tpu.memref_slice %arg5[%run_scoped3A_11, %dma_start3A_124, %dma_start3A_125] : memref<25x8x128xi32, #tpu.memory_space<vmem>> -> memref<1x8x128xi32, #tpu.memory_space<vmem>>
      %dma_start3A_127 = tpu.memref_squeeze %dma_start3A_126 : memref<1x8x128xi32, #tpu.memory_space<vmem>> -> memref<8x128xi32, #tpu.memory_space<vmem>>
      %dma_start3A_128 = arith.constant 72 : i32
      %dma_start3A_129 = tpu.memref_slice %arg2[%dma_start3A_128, %mul3A_2] : memref<200x4096xi32, #tpu.memory_space<hbm>> -> memref<8x128xi32, #tpu.memory_space<hbm>>
      tpu.enqueue_dma source(%dma_start3A_129 : memref<8x128xi32, #tpu.memory_space<hbm>>) target(%dma_start3A_127 : memref<8x128xi32, #tpu.memory_space<vmem>>) target_semaphore(%run_scoped3A_117 : memref<!tpu.dma_semaphore, #tpu.memory_space<semaphore_mem>>)
      %dma_wait3A_130 = arith.constant 0 : i32
      %dma_wait3A_131 = arith.constant 0 : i32
      %dma_wait3A_132 = tpu.memref_slice %arg5[%run_scoped3A_11, %dma_wait3A_130, %dma_wait3A_131] : memref<25x8x128xi32, #tpu.memory_space<vmem>> -> memref<1x8x128xi32, #tpu.memory_space<vmem>>
      %dma_wait3A_133 = tpu.memref_squeeze %dma_wait3A_132 : memref<1x8x128xi32, #tpu.memory_space<vmem>> -> memref<8x128xi32, #tpu.memory_space<vmem>>
      %dma_wait3A_134 = arith.constant 72 : i32
      %dma_wait3A_135 = tpu.memref_slice %arg2[%dma_wait3A_134, %mul3A_2] : memref<200x4096xi32, #tpu.memory_space<hbm>> -> memref<8x128xi32, #tpu.memory_space<hbm>>
      %dma_wait3A_136 = arith.constant 0 : i32
      %dma_wait3A_137 = arith.constant 0 : i32
      %dma_wait3A_138 = tpu.memref_slice %arg5[%run_scoped3A_11, %dma_wait3A_136, %dma_wait3A_137] : memref<25x8x128xi32, #tpu.memory_space<vmem>> -> memref<1x8x128xi32, #tpu.memory_space<vmem>>
      %dma_wait3A_139 = tpu.memref_squeeze %dma_wait3A_138 : memref<1x8x128xi32, #tpu.memory_space<vmem>> -> memref<8x128xi32, #tpu.memory_space<vmem>>
      %dma_wait3A_140 = arith.constant 72 : i32
      %dma_wait3A_141 = tpu.memref_slice %arg2[%dma_wait3A_140, %mul3A_2] : memref<200x4096xi32, #tpu.memory_space<hbm>> -> memref<8x128xi32, #tpu.memory_space<hbm>>
      tpu.wait_dma2 semaphore(%run_scoped3A_117 : memref<!tpu.dma_semaphore, #tpu.memory_space<semaphore_mem>>) src(%dma_wait3A_141 : memref<8x128xi32, #tpu.memory_space<hbm>>) dst(%dma_wait3A_139 : memref<8x128xi32, #tpu.memory_space<vmem>>)
      tpu.yield
    }) : () -> ()
    %run_scoped3A_12 = arith.constant 10 : i32
    "tpu.region"() ({
      %run_scoped3A_117 = tpu.sem_alloc : memref<!tpu.dma_semaphore, #tpu.memory_space<semaphore_mem>>
      %dma_start3A_118 = arith.constant 0 : i32
      %dma_start3A_119 = arith.constant 0 : i32
      %dma_start3A_120 = tpu.memref_slice %arg5[%run_scoped3A_12, %dma_start3A_118, %dma_start3A_119] : memref<25x8x128xi32, #tpu.memory_space<vmem>> -> memref<1x8x128xi32, #tpu.memory_space<vmem>>
      %dma_start3A_121 = tpu.memref_squeeze %dma_start3A_120 : memref<1x8x128xi32, #tpu.memory_space<vmem>> -> memref<8x128xi32, #tpu.memory_space<vmem>>
      %dma_start3A_122 = arith.constant 80 : i32
      %dma_start3A_123 = tpu.memref_slice %arg2[%dma_start3A_122, %mul3A_2] : memref<200x4096xi32, #tpu.memory_space<hbm>> -> memref<8x128xi32, #tpu.memory_space<hbm>>
      %dma_start3A_124 = arith.constant 0 : i32
      %dma_start3A_125 = arith.constant 0 : i32
      %dma_start3A_126 = tpu.memref_slice %arg5[%run_scoped3A_12, %dma_start3A_124, %dma_start3A_125] : memref<25x8x128xi32, #tpu.memory_space<vmem>> -> memref<1x8x128xi32, #tpu.memory_space<vmem>>
      %dma_start3A_127 = tpu.memref_squeeze %dma_start3A_126 : memref<1x8x128xi32, #tpu.memory_space<vmem>> -> memref<8x128xi32, #tpu.memory_space<vmem>>
      %dma_start3A_128 = arith.constant 80 : i32
      %dma_start3A_129 = tpu.memref_slice %arg2[%dma_start3A_128, %mul3A_2] : memref<200x4096xi32, #tpu.memory_space<hbm>> -> memref<8x128xi32, #tpu.memory_space<hbm>>
      tpu.enqueue_dma source(%dma_start3A_129 : memref<8x128xi32, #tpu.memory_space<hbm>>) target(%dma_start3A_127 : memref<8x128xi32, #tpu.memory_space<vmem>>) target_semaphore(%run_scoped3A_117 : memref<!tpu.dma_semaphore, #tpu.memory_space<semaphore_mem>>)
      %dma_wait3A_130 = arith.constant 0 : i32
      %dma_wait3A_131 = arith.constant 0 : i32
      %dma_wait3A_132 = tpu.memref_slice %arg5[%run_scoped3A_12, %dma_wait3A_130, %dma_wait3A_131] : memref<25x8x128xi32, #tpu.memory_space<vmem>> -> memref<1x8x128xi32, #tpu.memory_space<vmem>>
      %dma_wait3A_133 = tpu.memref_squeeze %dma_wait3A_132 : memref<1x8x128xi32, #tpu.memory_space<vmem>> -> memref<8x128xi32, #tpu.memory_space<vmem>>
      %dma_wait3A_134 = arith.constant 80 : i32
      %dma_wait3A_135 = tpu.memref_slice %arg2[%dma_wait3A_134, %mul3A_2] : memref<200x4096xi32, #tpu.memory_space<hbm>> -> memref<8x128xi32, #tpu.memory_space<hbm>>
      %dma_wait3A_136 = arith.constant 0 : i32
      %dma_wait3A_137 = arith.constant 0 : i32
      %dma_wait3A_138 = tpu.memref_slice %arg5[%run_scoped3A_12, %dma_wait3A_136, %dma_wait3A_137] : memref<25x8x128xi32, #tpu.memory_space<vmem>> -> memref<1x8x128xi32, #tpu.memory_space<vmem>>
      %dma_wait3A_139 = tpu.memref_squeeze %dma_wait3A_138 : memref<1x8x128xi32, #tpu.memory_space<vmem>> -> memref<8x128xi32, #tpu.memory_space<vmem>>
      %dma_wait3A_140 = arith.constant 80 : i32
      %dma_wait3A_141 = tpu.memref_slice %arg2[%dma_wait3A_140, %mul3A_2] : memref<200x4096xi32, #tpu.memory_space<hbm>> -> memref<8x128xi32, #tpu.memory_space<hbm>>
      tpu.wait_dma2 semaphore(%run_scoped3A_117 : memref<!tpu.dma_semaphore, #tpu.memory_space<semaphore_mem>>) src(%dma_wait3A_141 : memref<8x128xi32, #tpu.memory_space<hbm>>) dst(%dma_wait3A_139 : memref<8x128xi32, #tpu.memory_space<vmem>>)
      tpu.yield
    }) : () -> ()
    %run_scoped3A_13 = arith.constant 11 : i32
    "tpu.region"() ({
      %run_scoped3A_117 = tpu.sem_alloc : memref<!tpu.dma_semaphore, #tpu.memory_space<semaphore_mem>>
      %dma_start3A_118 = arith.constant 0 : i32
      %dma_start3A_119 = arith.constant 0 : i32
      %dma_start3A_120 = tpu.memref_slice %arg5[%run_scoped3A_13, %dma_start3A_118, %dma_start3A_119] : memref<25x8x128xi32, #tpu.memory_space<vmem>> -> memref<1x8x128xi32, #tpu.memory_space<vmem>>
      %dma_start3A_121 = tpu.memref_squeeze %dma_start3A_120 : memref<1x8x128xi32, #tpu.memory_space<vmem>> -> memref<8x128xi32, #tpu.memory_space<vmem>>
      %dma_start3A_122 = arith.constant 88 : i32
      %dma_start3A_123 = tpu.memref_slice %arg2[%dma_start3A_122, %mul3A_2] : memref<200x4096xi32, #tpu.memory_space<hbm>> -> memref<8x128xi32, #tpu.memory_space<hbm>>
      %dma_start3A_124 = arith.constant 0 : i32
      %dma_start3A_125 = arith.constant 0 : i32
      %dma_start3A_126 = tpu.memref_slice %arg5[%run_scoped3A_13, %dma_start3A_124, %dma_start3A_125] : memref<25x8x128xi32, #tpu.memory_space<vmem>> -> memref<1x8x128xi32, #tpu.memory_space<vmem>>
      %dma_start3A_127 = tpu.memref_squeeze %dma_start3A_126 : memref<1x8x128xi32, #tpu.memory_space<vmem>> -> memref<8x128xi32, #tpu.memory_space<vmem>>
      %dma_start3A_128 = arith.constant 88 : i32
      %dma_start3A_129 = tpu.memref_slice %arg2[%dma_start3A_128, %mul3A_2] : memref<200x4096xi32, #tpu.memory_space<hbm>> -> memref<8x128xi32, #tpu.memory_space<hbm>>
      tpu.enqueue_dma source(%dma_start3A_129 : memref<8x128xi32, #tpu.memory_space<hbm>>) target(%dma_start3A_127 : memref<8x128xi32, #tpu.memory_space<vmem>>) target_semaphore(%run_scoped3A_117 : memref<!tpu.dma_semaphore, #tpu.memory_space<semaphore_mem>>)
      %dma_wait3A_130 = arith.constant 0 : i32
      %dma_wait3A_131 = arith.constant 0 : i32
      %dma_wait3A_132 = tpu.memref_slice %arg5[%run_scoped3A_13, %dma_wait3A_130, %dma_wait3A_131] : memref<25x8x128xi32, #tpu.memory_space<vmem>> -> memref<1x8x128xi32, #tpu.memory_space<vmem>>
      %dma_wait3A_133 = tpu.memref_squeeze %dma_wait3A_132 : memref<1x8x128xi32, #tpu.memory_space<vmem>> -> memref<8x128xi32, #tpu.memory_space<vmem>>
      %dma_wait3A_134 = arith.constant 88 : i32
      %dma_wait3A_135 = tpu.memref_slice %arg2[%dma_wait3A_134, %mul3A_2] : memref<200x4096xi32, #tpu.memory_space<hbm>> -> memref<8x128xi32, #tpu.memory_space<hbm>>
      %dma_wait3A_136 = arith.constant 0 : i32
      %dma_wait3A_137 = arith.constant 0 : i32
      %dma_wait3A_138 = tpu.memref_slice %arg5[%run_scoped3A_13, %dma_wait3A_136, %dma_wait3A_137] : memref<25x8x128xi32, #tpu.memory_space<vmem>> -> memref<1x8x128xi32, #tpu.memory_space<vmem>>
      %dma_wait3A_139 = tpu.memref_squeeze %dma_wait3A_138 : memref<1x8x128xi32, #tpu.memory_space<vmem>> -> memref<8x128xi32, #tpu.memory_space<vmem>>
      %dma_wait3A_140 = arith.constant 88 : i32
      %dma_wait3A_141 = tpu.memref_slice %arg2[%dma_wait3A_140, %mul3A_2] : memref<200x4096xi32, #tpu.memory_space<hbm>> -> memref<8x128xi32, #tpu.memory_space<hbm>>
      tpu.wait_dma2 semaphore(%run_scoped3A_117 : memref<!tpu.dma_semaphore, #tpu.memory_space<semaphore_mem>>) src(%dma_wait3A_141 : memref<8x128xi32, #tpu.memory_space<hbm>>) dst(%dma_wait3A_139 : memref<8x128xi32, #tpu.memory_space<vmem>>)
      tpu.yield
    }) : () -> ()
    %run_scoped3A_14 = arith.constant 12 : i32
    "tpu.region"() ({
      %run_scoped3A_117 = tpu.sem_alloc : memref<!tpu.dma_semaphore, #tpu.memory_space<semaphore_mem>>
      %dma_start3A_118 = arith.constant 0 : i32
      %dma_start3A_119 = arith.constant 0 : i32
      %dma_start3A_120 = tpu.memref_slice %arg5[%run_scoped3A_14, %dma_start3A_118, %dma_start3A_119] : memref<25x8x128xi32, #tpu.memory_space<vmem>> -> memref<1x8x128xi32, #tpu.memory_space<vmem>>
      %dma_start3A_121 = tpu.memref_squeeze %dma_start3A_120 : memref<1x8x128xi32, #tpu.memory_space<vmem>> -> memref<8x128xi32, #tpu.memory_space<vmem>>
      %dma_start3A_122 = arith.constant 96 : i32
      %dma_start3A_123 = tpu.memref_slice %arg2[%dma_start3A_122, %mul3A_2] : memref<200x4096xi32, #tpu.memory_space<hbm>> -> memref<8x128xi32, #tpu.memory_space<hbm>>
      %dma_start3A_124 = arith.constant 0 : i32
      %dma_start3A_125 = arith.constant 0 : i32
      %dma_start3A_126 = tpu.memref_slice %arg5[%run_scoped3A_14, %dma_start3A_124, %dma_start3A_125] : memref<25x8x128xi32, #tpu.memory_space<vmem>> -> memref<1x8x128xi32, #tpu.memory_space<vmem>>
      %dma_start3A_127 = tpu.memref_squeeze %dma_start3A_126 : memref<1x8x128xi32, #tpu.memory_space<vmem>> -> memref<8x128xi32, #tpu.memory_space<vmem>>
      %dma_start3A_128 = arith.constant 96 : i32
      %dma_start3A_129 = tpu.memref_slice %arg2[%dma_start3A_128, %mul3A_2] : memref<200x4096xi32, #tpu.memory_space<hbm>> -> memref<8x128xi32, #tpu.memory_space<hbm>>
      tpu.enqueue_dma source(%dma_start3A_129 : memref<8x128xi32, #tpu.memory_space<hbm>>) target(%dma_start3A_127 : memref<8x128xi32, #tpu.memory_space<vmem>>) target_semaphore(%run_scoped3A_117 : memref<!tpu.dma_semaphore, #tpu.memory_space<semaphore_mem>>)
      %dma_wait3A_130 = arith.constant 0 : i32
      %dma_wait3A_131 = arith.constant 0 : i32
      %dma_wait3A_132 = tpu.memref_slice %arg5[%run_scoped3A_14, %dma_wait3A_130, %dma_wait3A_131] : memref<25x8x128xi32, #tpu.memory_space<vmem>> -> memref<1x8x128xi32, #tpu.memory_space<vmem>>
      %dma_wait3A_133 = tpu.memref_squeeze %dma_wait3A_132 : memref<1x8x128xi32, #tpu.memory_space<vmem>> -> memref<8x128xi32, #tpu.memory_space<vmem>>
      %dma_wait3A_134 = arith.constant 96 : i32
      %dma_wait3A_135 = tpu.memref_slice %arg2[%dma_wait3A_134, %mul3A_2] : memref<200x4096xi32, #tpu.memory_space<hbm>> -> memref<8x128xi32, #tpu.memory_space<hbm>>
      %dma_wait3A_136 = arith.constant 0 : i32
      %dma_wait3A_137 = arith.constant 0 : i32
      %dma_wait3A_138 = tpu.memref_slice %arg5[%run_scoped3A_14, %dma_wait3A_136, %dma_wait3A_137] : memref<25x8x128xi32, #tpu.memory_space<vmem>> -> memref<1x8x128xi32, #tpu.memory_space<vmem>>
      %dma_wait3A_139 = tpu.memref_squeeze %dma_wait3A_138 : memref<1x8x128xi32, #tpu.memory_space<vmem>> -> memref<8x128xi32, #tpu.memory_space<vmem>>
      %dma_wait3A_140 = arith.constant 96 : i32
      %dma_wait3A_141 = tpu.memref_slice %arg2[%dma_wait3A_140, %mul3A_2] : memref<200x4096xi32, #tpu.memory_space<hbm>> -> memref<8x128xi32, #tpu.memory_space<hbm>>
      tpu.wait_dma2 semaphore(%run_scoped3A_117 : memref<!tpu.dma_semaphore, #tpu.memory_space<semaphore_mem>>) src(%dma_wait3A_141 : memref<8x128xi32, #tpu.memory_space<hbm>>) dst(%dma_wait3A_139 : memref<8x128xi32, #tpu.memory_space<vmem>>)
      tpu.yield
    }) : () -> ()
    %run_scoped3A_15 = arith.constant 13 : i32
    "tpu.region"() ({
      %run_scoped3A_117 = tpu.sem_alloc : memref<!tpu.dma_semaphore, #tpu.memory_space<semaphore_mem>>
      %dma_start3A_118 = arith.constant 0 : i32
      %dma_start3A_119 = arith.constant 0 : i32
      %dma_start3A_120 = tpu.memref_slice %arg5[%run_scoped3A_15, %dma_start3A_118, %dma_start3A_119] : memref<25x8x128xi32, #tpu.memory_space<vmem>> -> memref<1x8x128xi32, #tpu.memory_space<vmem>>
      %dma_start3A_121 = tpu.memref_squeeze %dma_start3A_120 : memref<1x8x128xi32, #tpu.memory_space<vmem>> -> memref<8x128xi32, #tpu.memory_space<vmem>>
      %dma_start3A_122 = arith.constant 104 : i32
      %dma_start3A_123 = tpu.memref_slice %arg2[%dma_start3A_122, %mul3A_2] : memref<200x4096xi32, #tpu.memory_space<hbm>> -> memref<8x128xi32, #tpu.memory_space<hbm>>
      %dma_start3A_124 = arith.constant 0 : i32
      %dma_start3A_125 = arith.constant 0 : i32
      %dma_start3A_126 = tpu.memref_slice %arg5[%run_scoped3A_15, %dma_start3A_124, %dma_start3A_125] : memref<25x8x128xi32, #tpu.memory_space<vmem>> -> memref<1x8x128xi32, #tpu.memory_space<vmem>>
      %dma_start3A_127 = tpu.memref_squeeze %dma_start3A_126 : memref<1x8x128xi32, #tpu.memory_space<vmem>> -> memref<8x128xi32, #tpu.memory_space<vmem>>
      %dma_start3A_128 = arith.constant 104 : i32
      %dma_start3A_129 = tpu.memref_slice %arg2[%dma_start3A_128, %mul3A_2] : memref<200x4096xi32, #tpu.memory_space<hbm>> -> memref<8x128xi32, #tpu.memory_space<hbm>>
      tpu.enqueue_dma source(%dma_start3A_129 : memref<8x128xi32, #tpu.memory_space<hbm>>) target(%dma_start3A_127 : memref<8x128xi32, #tpu.memory_space<vmem>>) target_semaphore(%run_scoped3A_117 : memref<!tpu.dma_semaphore, #tpu.memory_space<semaphore_mem>>)
      %dma_wait3A_130 = arith.constant 0 : i32
      %dma_wait3A_131 = arith.constant 0 : i32
      %dma_wait3A_132 = tpu.memref_slice %arg5[%run_scoped3A_15, %dma_wait3A_130, %dma_wait3A_131] : memref<25x8x128xi32, #tpu.memory_space<vmem>> -> memref<1x8x128xi32, #tpu.memory_space<vmem>>
      %dma_wait3A_133 = tpu.memref_squeeze %dma_wait3A_132 : memref<1x8x128xi32, #tpu.memory_space<vmem>> -> memref<8x128xi32, #tpu.memory_space<vmem>>
      %dma_wait3A_134 = arith.constant 104 : i32
      %dma_wait3A_135 = tpu.memref_slice %arg2[%dma_wait3A_134, %mul3A_2] : memref<200x4096xi32, #tpu.memory_space<hbm>> -> memref<8x128xi32, #tpu.memory_space<hbm>>
      %dma_wait3A_136 = arith.constant 0 : i32
      %dma_wait3A_137 = arith.constant 0 : i32
      %dma_wait3A_138 = tpu.memref_slice %arg5[%run_scoped3A_15, %dma_wait3A_136, %dma_wait3A_137] : memref<25x8x128xi32, #tpu.memory_space<vmem>> -> memref<1x8x128xi32, #tpu.memory_space<vmem>>
      %dma_wait3A_139 = tpu.memref_squeeze %dma_wait3A_138 : memref<1x8x128xi32, #tpu.memory_space<vmem>> -> memref<8x128xi32, #tpu.memory_space<vmem>>
      %dma_wait3A_140 = arith.constant 104 : i32
      %dma_wait3A_141 = tpu.memref_slice %arg2[%dma_wait3A_140, %mul3A_2] : memref<200x4096xi32, #tpu.memory_space<hbm>> -> memref<8x128xi32, #tpu.memory_space<hbm>>
      tpu.wait_dma2 semaphore(%run_scoped3A_117 : memref<!tpu.dma_semaphore, #tpu.memory_space<semaphore_mem>>) src(%dma_wait3A_141 : memref<8x128xi32, #tpu.memory_space<hbm>>) dst(%dma_wait3A_139 : memref<8x128xi32, #tpu.memory_space<vmem>>)
      tpu.yield
    }) : () -> ()
    %run_scoped3A_16 = arith.constant 14 : i32
    "tpu.region"() ({
      %run_scoped3A_117 = tpu.sem_alloc : memref<!tpu.dma_semaphore, #tpu.memory_space<semaphore_mem>>
      %dma_start3A_118 = arith.constant 0 : i32
      %dma_start3A_119 = arith.constant 0 : i32
      %dma_start3A_120 = tpu.memref_slice %arg5[%run_scoped3A_16, %dma_start3A_118, %dma_start3A_119] : memref<25x8x128xi32, #tpu.memory_space<vmem>> -> memref<1x8x128xi32, #tpu.memory_space<vmem>>
      %dma_start3A_121 = tpu.memref_squeeze %dma_start3A_120 : memref<1x8x128xi32, #tpu.memory_space<vmem>> -> memref<8x128xi32, #tpu.memory_space<vmem>>
      %dma_start3A_122 = arith.constant 112 : i32
      %dma_start3A_123 = tpu.memref_slice %arg2[%dma_start3A_122, %mul3A_2] : memref<200x4096xi32, #tpu.memory_space<hbm>> -> memref<8x128xi32, #tpu.memory_space<hbm>>
      %dma_start3A_124 = arith.constant 0 : i32
      %dma_start3A_125 = arith.constant 0 : i32
      %dma_start3A_126 = tpu.memref_slice %arg5[%run_scoped3A_16, %dma_start3A_124, %dma_start3A_125] : memref<25x8x128xi32, #tpu.memory_space<vmem>> -> memref<1x8x128xi32, #tpu.memory_space<vmem>>
      %dma_start3A_127 = tpu.memref_squeeze %dma_start3A_126 : memref<1x8x128xi32, #tpu.memory_space<vmem>> -> memref<8x128xi32, #tpu.memory_space<vmem>>
      %dma_start3A_128 = arith.constant 112 : i32
      %dma_start3A_129 = tpu.memref_slice %arg2[%dma_start3A_128, %mul3A_2] : memref<200x4096xi32, #tpu.memory_space<hbm>> -> memref<8x128xi32, #tpu.memory_space<hbm>>
      tpu.enqueue_dma source(%dma_start3A_129 : memref<8x128xi32, #tpu.memory_space<hbm>>) target(%dma_start3A_127 : memref<8x128xi32, #tpu.memory_space<vmem>>) target_semaphore(%run_scoped3A_117 : memref<!tpu.dma_semaphore, #tpu.memory_space<semaphore_mem>>)
      %dma_wait3A_130 = arith.constant 0 : i32
      %dma_wait3A_131 = arith.constant 0 : i32
      %dma_wait3A_132 = tpu.memref_slice %arg5[%run_scoped3A_16, %dma_wait3A_130, %dma_wait3A_131] : memref<25x8x128xi32, #tpu.memory_space<vmem>> -> memref<1x8x128xi32, #tpu.memory_space<vmem>>
      %dma_wait3A_133 = tpu.memref_squeeze %dma_wait3A_132 : memref<1x8x128xi32, #tpu.memory_space<vmem>> -> memref<8x128xi32, #tpu.memory_space<vmem>>
      %dma_wait3A_134 = arith.constant 112 : i32
      %dma_wait3A_135 = tpu.memref_slice %arg2[%dma_wait3A_134, %mul3A_2] : memref<200x4096xi32, #tpu.memory_space<hbm>> -> memref<8x128xi32, #tpu.memory_space<hbm>>
      %dma_wait3A_136 = arith.constant 0 : i32
      %dma_wait3A_137 = arith.constant 0 : i32
      %dma_wait3A_138 = tpu.memref_slice %arg5[%run_scoped3A_16, %dma_wait3A_136, %dma_wait3A_137] : memref<25x8x128xi32, #tpu.memory_space<vmem>> -> memref<1x8x128xi32, #tpu.memory_space<vmem>>
      %dma_wait3A_139 = tpu.memref_squeeze %dma_wait3A_138 : memref<1x8x128xi32, #tpu.memory_space<vmem>> -> memref<8x128xi32, #tpu.memory_space<vmem>>
      %dma_wait3A_140 = arith.constant 112 : i32
      %dma_wait3A_141 = tpu.memref_slice %arg2[%dma_wait3A_140, %mul3A_2] : memref<200x4096xi32, #tpu.memory_space<hbm>> -> memref<8x128xi32, #tpu.memory_space<hbm>>
      tpu.wait_dma2 semaphore(%run_scoped3A_117 : memref<!tpu.dma_semaphore, #tpu.memory_space<semaphore_mem>>) src(%dma_wait3A_141 : memref<8x128xi32, #tpu.memory_space<hbm>>) dst(%dma_wait3A_139 : memref<8x128xi32, #tpu.memory_space<vmem>>)
      tpu.yield
    }) : () -> ()
    %run_scoped3A_17 = arith.constant 15 : i32
    "tpu.region"() ({
      %run_scoped3A_117 = tpu.sem_alloc : memref<!tpu.dma_semaphore, #tpu.memory_space<semaphore_mem>>
      %dma_start3A_118 = arith.constant 0 : i32
      %dma_start3A_119 = arith.constant 0 : i32
      %dma_start3A_120 = tpu.memref_slice %arg5[%run_scoped3A_17, %dma_start3A_118, %dma_start3A_119] : memref<25x8x128xi32, #tpu.memory_space<vmem>> -> memref<1x8x128xi32, #tpu.memory_space<vmem>>
      %dma_start3A_121 = tpu.memref_squeeze %dma_start3A_120 : memref<1x8x128xi32, #tpu.memory_space<vmem>> -> memref<8x128xi32, #tpu.memory_space<vmem>>
      %dma_start3A_122 = arith.constant 120 : i32
      %dma_start3A_123 = tpu.memref_slice %arg2[%dma_start3A_122, %mul3A_2] : memref<200x4096xi32, #tpu.memory_space<hbm>> -> memref<8x128xi32, #tpu.memory_space<hbm>>
      %dma_start3A_124 = arith.constant 0 : i32
      %dma_start3A_125 = arith.constant 0 : i32
      %dma_start3A_126 = tpu.memref_slice %arg5[%run_scoped3A_17, %dma_start3A_124, %dma_start3A_125] : memref<25x8x128xi32, #tpu.memory_space<vmem>> -> memref<1x8x128xi32, #tpu.memory_space<vmem>>
      %dma_start3A_127 = tpu.memref_squeeze %dma_start3A_126 : memref<1x8x128xi32, #tpu.memory_space<vmem>> -> memref<8x128xi32, #tpu.memory_space<vmem>>
      %dma_start3A_128 = arith.constant 120 : i32
      %dma_start3A_129 = tpu.memref_slice %arg2[%dma_start3A_128, %mul3A_2] : memref<200x4096xi32, #tpu.memory_space<hbm>> -> memref<8x128xi32, #tpu.memory_space<hbm>>
      tpu.enqueue_dma source(%dma_start3A_129 : memref<8x128xi32, #tpu.memory_space<hbm>>) target(%dma_start3A_127 : memref<8x128xi32, #tpu.memory_space<vmem>>) target_semaphore(%run_scoped3A_117 : memref<!tpu.dma_semaphore, #tpu.memory_space<semaphore_mem>>)
      %dma_wait3A_130 = arith.constant 0 : i32
      %dma_wait3A_131 = arith.constant 0 : i32
      %dma_wait3A_132 = tpu.memref_slice %arg5[%run_scoped3A_17, %dma_wait3A_130, %dma_wait3A_131] : memref<25x8x128xi32, #tpu.memory_space<vmem>> -> memref<1x8x128xi32, #tpu.memory_space<vmem>>
      %dma_wait3A_133 = tpu.memref_squeeze %dma_wait3A_132 : memref<1x8x128xi32, #tpu.memory_space<vmem>> -> memref<8x128xi32, #tpu.memory_space<vmem>>
      %dma_wait3A_134 = arith.constant 120 : i32
      %dma_wait3A_135 = tpu.memref_slice %arg2[%dma_wait3A_134, %mul3A_2] : memref<200x4096xi32, #tpu.memory_space<hbm>> -> memref<8x128xi32, #tpu.memory_space<hbm>>
      %dma_wait3A_136 = arith.constant 0 : i32
      %dma_wait3A_137 = arith.constant 0 : i32
      %dma_wait3A_138 = tpu.memref_slice %arg5[%run_scoped3A_17, %dma_wait3A_136, %dma_wait3A_137] : memref<25x8x128xi32, #tpu.memory_space<vmem>> -> memref<1x8x128xi32, #tpu.memory_space<vmem>>
      %dma_wait3A_139 = tpu.memref_squeeze %dma_wait3A_138 : memref<1x8x128xi32, #tpu.memory_space<vmem>> -> memref<8x128xi32, #tpu.memory_space<vmem>>
      %dma_wait3A_140 = arith.constant 120 : i32
      %dma_wait3A_141 = tpu.memref_slice %arg2[%dma_wait3A_140, %mul3A_2] : memref<200x4096xi32, #tpu.memory_space<hbm>> -> memref<8x128xi32, #tpu.memory_space<hbm>>
      tpu.wait_dma2 semaphore(%run_scoped3A_117 : memref<!tpu.dma_semaphore, #tpu.memory_space<semaphore_mem>>) src(%dma_wait3A_141 : memref<8x128xi32, #tpu.memory_space<hbm>>) dst(%dma_wait3A_139 : memref<8x128xi32, #tpu.memory_space<vmem>>)
      tpu.yield
    }) : () -> ()
    %run_scoped3A_18 = arith.constant 16 : i32
    "tpu.region"() ({
      %run_scoped3A_117 = tpu.sem_alloc : memref<!tpu.dma_semaphore, #tpu.memory_space<semaphore_mem>>
      %dma_start3A_118 = arith.constant 0 : i32
      %dma_start3A_119 = arith.constant 0 : i32
      %dma_start3A_120 = tpu.memref_slice %arg5[%run_scoped3A_18, %dma_start3A_118, %dma_start3A_119] : memref<25x8x128xi32, #tpu.memory_space<vmem>> -> memref<1x8x128xi32, #tpu.memory_space<vmem>>
      %dma_start3A_121 = tpu.memref_squeeze %dma_start3A_120 : memref<1x8x128xi32, #tpu.memory_space<vmem>> -> memref<8x128xi32, #tpu.memory_space<vmem>>
      %dma_start3A_122 = arith.constant 128 : i32
      %dma_start3A_123 = tpu.memref_slice %arg2[%dma_start3A_122, %mul3A_2] : memref<200x4096xi32, #tpu.memory_space<hbm>> -> memref<8x128xi32, #tpu.memory_space<hbm>>
      %dma_start3A_124 = arith.constant 0 : i32
      %dma_start3A_125 = arith.constant 0 : i32
      %dma_start3A_126 = tpu.memref_slice %arg5[%run_scoped3A_18, %dma_start3A_124, %dma_start3A_125] : memref<25x8x128xi32, #tpu.memory_space<vmem>> -> memref<1x8x128xi32, #tpu.memory_space<vmem>>
      %dma_start3A_127 = tpu.memref_squeeze %dma_start3A_126 : memref<1x8x128xi32, #tpu.memory_space<vmem>> -> memref<8x128xi32, #tpu.memory_space<vmem>>
      %dma_start3A_128 = arith.constant 128 : i32
      %dma_start3A_129 = tpu.memref_slice %arg2[%dma_start3A_128, %mul3A_2] : memref<200x4096xi32, #tpu.memory_space<hbm>> -> memref<8x128xi32, #tpu.memory_space<hbm>>
      tpu.enqueue_dma source(%dma_start3A_129 : memref<8x128xi32, #tpu.memory_space<hbm>>) target(%dma_start3A_127 : memref<8x128xi32, #tpu.memory_space<vmem>>) target_semaphore(%run_scoped3A_117 : memref<!tpu.dma_semaphore, #tpu.memory_space<semaphore_mem>>)
      %dma_wait3A_130 = arith.constant 0 : i32
      %dma_wait3A_131 = arith.constant 0 : i32
      %dma_wait3A_132 = tpu.memref_slice %arg5[%run_scoped3A_18, %dma_wait3A_130, %dma_wait3A_131] : memref<25x8x128xi32, #tpu.memory_space<vmem>> -> memref<1x8x128xi32, #tpu.memory_space<vmem>>
      %dma_wait3A_133 = tpu.memref_squeeze %dma_wait3A_132 : memref<1x8x128xi32, #tpu.memory_space<vmem>> -> memref<8x128xi32, #tpu.memory_space<vmem>>
      %dma_wait3A_134 = arith.constant 128 : i32
      %dma_wait3A_135 = tpu.memref_slice %arg2[%dma_wait3A_134, %mul3A_2] : memref<200x4096xi32, #tpu.memory_space<hbm>> -> memref<8x128xi32, #tpu.memory_space<hbm>>
      %dma_wait3A_136 = arith.constant 0 : i32
      %dma_wait3A_137 = arith.constant 0 : i32
      %dma_wait3A_138 = tpu.memref_slice %arg5[%run_scoped3A_18, %dma_wait3A_136, %dma_wait3A_137] : memref<25x8x128xi32, #tpu.memory_space<vmem>> -> memref<1x8x128xi32, #tpu.memory_space<vmem>>
      %dma_wait3A_139 = tpu.memref_squeeze %dma_wait3A_138 : memref<1x8x128xi32, #tpu.memory_space<vmem>> -> memref<8x128xi32, #tpu.memory_space<vmem>>
      %dma_wait3A_140 = arith.constant 128 : i32
      %dma_wait3A_141 = tpu.memref_slice %arg2[%dma_wait3A_140, %mul3A_2] : memref<200x4096xi32, #tpu.memory_space<hbm>> -> memref<8x128xi32, #tpu.memory_space<hbm>>
      tpu.wait_dma2 semaphore(%run_scoped3A_117 : memref<!tpu.dma_semaphore, #tpu.memory_space<semaphore_mem>>) src(%dma_wait3A_141 : memref<8x128xi32, #tpu.memory_space<hbm>>) dst(%dma_wait3A_139 : memref<8x128xi32, #tpu.memory_space<vmem>>)
      tpu.yield
    }) : () -> ()
    %run_scoped3A_19 = arith.constant 17 : i32
    "tpu.region"() ({
      %run_scoped3A_117 = tpu.sem_alloc : memref<!tpu.dma_semaphore, #tpu.memory_space<semaphore_mem>>
      %dma_start3A_118 = arith.constant 0 : i32
      %dma_start3A_119 = arith.constant 0 : i32
      %dma_start3A_120 = tpu.memref_slice %arg5[%run_scoped3A_19, %dma_start3A_118, %dma_start3A_119] : memref<25x8x128xi32, #tpu.memory_space<vmem>> -> memref<1x8x128xi32, #tpu.memory_space<vmem>>
      %dma_start3A_121 = tpu.memref_squeeze %dma_start3A_120 : memref<1x8x128xi32, #tpu.memory_space<vmem>> -> memref<8x128xi32, #tpu.memory_space<vmem>>
      %dma_start3A_122 = arith.constant 136 : i32
      %dma_start3A_123 = tpu.memref_slice %arg2[%dma_start3A_122, %mul3A_2] : memref<200x4096xi32, #tpu.memory_space<hbm>> -> memref<8x128xi32, #tpu.memory_space<hbm>>
      %dma_start3A_124 = arith.constant 0 : i32
      %dma_start3A_125 = arith.constant 0 : i32
      %dma_start3A_126 = tpu.memref_slice %arg5[%run_scoped3A_19, %dma_start3A_124, %dma_start3A_125] : memref<25x8x128xi32, #tpu.memory_space<vmem>> -> memref<1x8x128xi32, #tpu.memory_space<vmem>>
      %dma_start3A_127 = tpu.memref_squeeze %dma_start3A_126 : memref<1x8x128xi32, #tpu.memory_space<vmem>> -> memref<8x128xi32, #tpu.memory_space<vmem>>
      %dma_start3A_128 = arith.constant 136 : i32
      %dma_start3A_129 = tpu.memref_slice %arg2[%dma_start3A_128, %mul3A_2] : memref<200x4096xi32, #tpu.memory_space<hbm>> -> memref<8x128xi32, #tpu.memory_space<hbm>>
      tpu.enqueue_dma source(%dma_start3A_129 : memref<8x128xi32, #tpu.memory_space<hbm>>) target(%dma_start3A_127 : memref<8x128xi32, #tpu.memory_space<vmem>>) target_semaphore(%run_scoped3A_117 : memref<!tpu.dma_semaphore, #tpu.memory_space<semaphore_mem>>)
      %dma_wait3A_130 = arith.constant 0 : i32
      %dma_wait3A_131 = arith.constant 0 : i32
      %dma_wait3A_132 = tpu.memref_slice %arg5[%run_scoped3A_19, %dma_wait3A_130, %dma_wait3A_131] : memref<25x8x128xi32, #tpu.memory_space<vmem>> -> memref<1x8x128xi32, #tpu.memory_space<vmem>>
      %dma_wait3A_133 = tpu.memref_squeeze %dma_wait3A_132 : memref<1x8x128xi32, #tpu.memory_space<vmem>> -> memref<8x128xi32, #tpu.memory_space<vmem>>
      %dma_wait3A_134 = arith.constant 136 : i32
      %dma_wait3A_135 = tpu.memref_slice %arg2[%dma_wait3A_134, %mul3A_2] : memref<200x4096xi32, #tpu.memory_space<hbm>> -> memref<8x128xi32, #tpu.memory_space<hbm>>
      %dma_wait3A_136 = arith.constant 0 : i32
      %dma_wait3A_137 = arith.constant 0 : i32
      %dma_wait3A_138 = tpu.memref_slice %arg5[%run_scoped3A_19, %dma_wait3A_136, %dma_wait3A_137] : memref<25x8x128xi32, #tpu.memory_space<vmem>> -> memref<1x8x128xi32, #tpu.memory_space<vmem>>
      %dma_wait3A_139 = tpu.memref_squeeze %dma_wait3A_138 : memref<1x8x128xi32, #tpu.memory_space<vmem>> -> memref<8x128xi32, #tpu.memory_space<vmem>>
      %dma_wait3A_140 = arith.constant 136 : i32
      %dma_wait3A_141 = tpu.memref_slice %arg2[%dma_wait3A_140, %mul3A_2] : memref<200x4096xi32, #tpu.memory_space<hbm>> -> memref<8x128xi32, #tpu.memory_space<hbm>>
      tpu.wait_dma2 semaphore(%run_scoped3A_117 : memref<!tpu.dma_semaphore, #tpu.memory_space<semaphore_mem>>) src(%dma_wait3A_141 : memref<8x128xi32, #tpu.memory_space<hbm>>) dst(%dma_wait3A_139 : memref<8x128xi32, #tpu.memory_space<vmem>>)
      tpu.yield
    }) : () -> ()
    %run_scoped3A_20 = arith.constant 18 : i32
    "tpu.region"() ({
      %run_scoped3A_117 = tpu.sem_alloc : memref<!tpu.dma_semaphore, #tpu.memory_space<semaphore_mem>>
      %dma_start3A_118 = arith.constant 0 : i32
      %dma_start3A_119 = arith.constant 0 : i32
      %dma_start3A_120 = tpu.memref_slice %arg5[%run_scoped3A_20, %dma_start3A_118, %dma_start3A_119] : memref<25x8x128xi32, #tpu.memory_space<vmem>> -> memref<1x8x128xi32, #tpu.memory_space<vmem>>
      %dma_start3A_121 = tpu.memref_squeeze %dma_start3A_120 : memref<1x8x128xi32, #tpu.memory_space<vmem>> -> memref<8x128xi32, #tpu.memory_space<vmem>>
      %dma_start3A_122 = arith.constant 144 : i32
      %dma_start3A_123 = tpu.memref_slice %arg2[%dma_start3A_122, %mul3A_2] : memref<200x4096xi32, #tpu.memory_space<hbm>> -> memref<8x128xi32, #tpu.memory_space<hbm>>
      %dma_start3A_124 = arith.constant 0 : i32
      %dma_start3A_125 = arith.constant 0 : i32
      %dma_start3A_126 = tpu.memref_slice %arg5[%run_scoped3A_20, %dma_start3A_124, %dma_start3A_125] : memref<25x8x128xi32, #tpu.memory_space<vmem>> -> memref<1x8x128xi32, #tpu.memory_space<vmem>>
      %dma_start3A_127 = tpu.memref_squeeze %dma_start3A_126 : memref<1x8x128xi32, #tpu.memory_space<vmem>> -> memref<8x128xi32, #tpu.memory_space<vmem>>
      %dma_start3A_128 = arith.constant 144 : i32
      %dma_start3A_129 = tpu.memref_slice %arg2[%dma_start3A_128, %mul3A_2] : memref<200x4096xi32, #tpu.memory_space<hbm>> -> memref<8x128xi32, #tpu.memory_space<hbm>>
      tpu.enqueue_dma source(%dma_start3A_129 : memref<8x128xi32, #tpu.memory_space<hbm>>) target(%dma_start3A_127 : memref<8x128xi32, #tpu.memory_space<vmem>>) target_semaphore(%run_scoped3A_117 : memref<!tpu.dma_semaphore, #tpu.memory_space<semaphore_mem>>)
      %dma_wait3A_130 = arith.constant 0 : i32
      %dma_wait3A_131 = arith.constant 0 : i32
      %dma_wait3A_132 = tpu.memref_slice %arg5[%run_scoped3A_20, %dma_wait3A_130, %dma_wait3A_131] : memref<25x8x128xi32, #tpu.memory_space<vmem>> -> memref<1x8x128xi32, #tpu.memory_space<vmem>>
      %dma_wait3A_133 = tpu.memref_squeeze %dma_wait3A_132 : memref<1x8x128xi32, #tpu.memory_space<vmem>> -> memref<8x128xi32, #tpu.memory_space<vmem>>
      %dma_wait3A_134 = arith.constant 144 : i32
      %dma_wait3A_135 = tpu.memref_slice %arg2[%dma_wait3A_134, %mul3A_2] : memref<200x4096xi32, #tpu.memory_space<hbm>> -> memref<8x128xi32, #tpu.memory_space<hbm>>
      %dma_wait3A_136 = arith.constant 0 : i32
      %dma_wait3A_137 = arith.constant 0 : i32
      %dma_wait3A_138 = tpu.memref_slice %arg5[%run_scoped3A_20, %dma_wait3A_136, %dma_wait3A_137] : memref<25x8x128xi32, #tpu.memory_space<vmem>> -> memref<1x8x128xi32, #tpu.memory_space<vmem>>
      %dma_wait3A_139 = tpu.memref_squeeze %dma_wait3A_138 : memref<1x8x128xi32, #tpu.memory_space<vmem>> -> memref<8x128xi32, #tpu.memory_space<vmem>>
      %dma_wait3A_140 = arith.constant 144 : i32
      %dma_wait3A_141 = tpu.memref_slice %arg2[%dma_wait3A_140, %mul3A_2] : memref<200x4096xi32, #tpu.memory_space<hbm>> -> memref<8x128xi32, #tpu.memory_space<hbm>>
      tpu.wait_dma2 semaphore(%run_scoped3A_117 : memref<!tpu.dma_semaphore, #tpu.memory_space<semaphore_mem>>) src(%dma_wait3A_141 : memref<8x128xi32, #tpu.memory_space<hbm>>) dst(%dma_wait3A_139 : memref<8x128xi32, #tpu.memory_space<vmem>>)
      tpu.yield
    }) : () -> ()
    %run_scoped3A_21 = arith.constant 19 : i32
    "tpu.region"() ({
      %run_scoped3A_117 = tpu.sem_alloc : memref<!tpu.dma_semaphore, #tpu.memory_space<semaphore_mem>>
      %dma_start3A_118 = arith.constant 0 : i32
      %dma_start3A_119 = arith.constant 0 : i32
      %dma_start3A_120 = tpu.memref_slice %arg5[%run_scoped3A_21, %dma_start3A_118, %dma_start3A_119] : memref<25x8x128xi32, #tpu.memory_space<vmem>> -> memref<1x8x128xi32, #tpu.memory_space<vmem>>
      %dma_start3A_121 = tpu.memref_squeeze %dma_start3A_120 : memref<1x8x128xi32, #tpu.memory_space<vmem>> -> memref<8x128xi32, #tpu.memory_space<vmem>>
      %dma_start3A_122 = arith.constant 152 : i32
      %dma_start3A_123 = tpu.memref_slice %arg2[%dma_start3A_122, %mul3A_2] : memref<200x4096xi32, #tpu.memory_space<hbm>> -> memref<8x128xi32, #tpu.memory_space<hbm>>
      %dma_start3A_124 = arith.constant 0 : i32
      %dma_start3A_125 = arith.constant 0 : i32
      %dma_start3A_126 = tpu.memref_slice %arg5[%run_scoped3A_21, %dma_start3A_124, %dma_start3A_125] : memref<25x8x128xi32, #tpu.memory_space<vmem>> -> memref<1x8x128xi32, #tpu.memory_space<vmem>>
      %dma_start3A_127 = tpu.memref_squeeze %dma_start3A_126 : memref<1x8x128xi32, #tpu.memory_space<vmem>> -> memref<8x128xi32, #tpu.memory_space<vmem>>
      %dma_start3A_128 = arith.constant 152 : i32
      %dma_start3A_129 = tpu.memref_slice %arg2[%dma_start3A_128, %mul3A_2] : memref<200x4096xi32, #tpu.memory_space<hbm>> -> memref<8x128xi32, #tpu.memory_space<hbm>>
      tpu.enqueue_dma source(%dma_start3A_129 : memref<8x128xi32, #tpu.memory_space<hbm>>) target(%dma_start3A_127 : memref<8x128xi32, #tpu.memory_space<vmem>>) target_semaphore(%run_scoped3A_117 : memref<!tpu.dma_semaphore, #tpu.memory_space<semaphore_mem>>)
      %dma_wait3A_130 = arith.constant 0 : i32
      %dma_wait3A_131 = arith.constant 0 : i32
      %dma_wait3A_132 = tpu.memref_slice %arg5[%run_scoped3A_21, %dma_wait3A_130, %dma_wait3A_131] : memref<25x8x128xi32, #tpu.memory_space<vmem>> -> memref<1x8x128xi32, #tpu.memory_space<vmem>>
      %dma_wait3A_133 = tpu.memref_squeeze %dma_wait3A_132 : memref<1x8x128xi32, #tpu.memory_space<vmem>> -> memref<8x128xi32, #tpu.memory_space<vmem>>
      %dma_wait3A_134 = arith.constant 152 : i32
      %dma_wait3A_135 = tpu.memref_slice %arg2[%dma_wait3A_134, %mul3A_2] : memref<200x4096xi32, #tpu.memory_space<hbm>> -> memref<8x128xi32, #tpu.memory_space<hbm>>
      %dma_wait3A_136 = arith.constant 0 : i32
      %dma_wait3A_137 = arith.constant 0 : i32
      %dma_wait3A_138 = tpu.memref_slice %arg5[%run_scoped3A_21, %dma_wait3A_136, %dma_wait3A_137] : memref<25x8x128xi32, #tpu.memory_space<vmem>> -> memref<1x8x128xi32, #tpu.memory_space<vmem>>
      %dma_wait3A_139 = tpu.memref_squeeze %dma_wait3A_138 : memref<1x8x128xi32, #tpu.memory_space<vmem>> -> memref<8x128xi32, #tpu.memory_space<vmem>>
      %dma_wait3A_140 = arith.constant 152 : i32
      %dma_wait3A_141 = tpu.memref_slice %arg2[%dma_wait3A_140, %mul3A_2] : memref<200x4096xi32, #tpu.memory_space<hbm>> -> memref<8x128xi32, #tpu.memory_space<hbm>>
      tpu.wait_dma2 semaphore(%run_scoped3A_117 : memref<!tpu.dma_semaphore, #tpu.memory_space<semaphore_mem>>) src(%dma_wait3A_141 : memref<8x128xi32, #tpu.memory_space<hbm>>) dst(%dma_wait3A_139 : memref<8x128xi32, #tpu.memory_space<vmem>>)
      tpu.yield
    }) : () -> ()
    %run_scoped3A_22 = arith.constant 20 : i32
    "tpu.region"() ({
      %run_scoped3A_117 = tpu.sem_alloc : memref<!tpu.dma_semaphore, #tpu.memory_space<semaphore_mem>>
      %dma_start3A_118 = arith.constant 0 : i32
      %dma_start3A_119 = arith.constant 0 : i32
      %dma_start3A_120 = tpu.memref_slice %arg5[%run_scoped3A_22, %dma_start3A_118, %dma_start3A_119] : memref<25x8x128xi32, #tpu.memory_space<vmem>> -> memref<1x8x128xi32, #tpu.memory_space<vmem>>
      %dma_start3A_121 = tpu.memref_squeeze %dma_start3A_120 : memref<1x8x128xi32, #tpu.memory_space<vmem>> -> memref<8x128xi32, #tpu.memory_space<vmem>>
      %dma_start3A_122 = arith.constant 160 : i32
      %dma_start3A_123 = tpu.memref_slice %arg2[%dma_start3A_122, %mul3A_2] : memref<200x4096xi32, #tpu.memory_space<hbm>> -> memref<8x128xi32, #tpu.memory_space<hbm>>
      %dma_start3A_124 = arith.constant 0 : i32
      %dma_start3A_125 = arith.constant 0 : i32
      %dma_start3A_126 = tpu.memref_slice %arg5[%run_scoped3A_22, %dma_start3A_124, %dma_start3A_125] : memref<25x8x128xi32, #tpu.memory_space<vmem>> -> memref<1x8x128xi32, #tpu.memory_space<vmem>>
      %dma_start3A_127 = tpu.memref_squeeze %dma_start3A_126 : memref<1x8x128xi32, #tpu.memory_space<vmem>> -> memref<8x128xi32, #tpu.memory_space<vmem>>
      %dma_start3A_128 = arith.constant 160 : i32
      %dma_start3A_129 = tpu.memref_slice %arg2[%dma_start3A_128, %mul3A_2] : memref<200x4096xi32, #tpu.memory_space<hbm>> -> memref<8x128xi32, #tpu.memory_space<hbm>>
      tpu.enqueue_dma source(%dma_start3A_129 : memref<8x128xi32, #tpu.memory_space<hbm>>) target(%dma_start3A_127 : memref<8x128xi32, #tpu.memory_space<vmem>>) target_semaphore(%run_scoped3A_117 : memref<!tpu.dma_semaphore, #tpu.memory_space<semaphore_mem>>)
      %dma_wait3A_130 = arith.constant 0 : i32
      %dma_wait3A_131 = arith.constant 0 : i32
      %dma_wait3A_132 = tpu.memref_slice %arg5[%run_scoped3A_22, %dma_wait3A_130, %dma_wait3A_131] : memref<25x8x128xi32, #tpu.memory_space<vmem>> -> memref<1x8x128xi32, #tpu.memory_space<vmem>>
      %dma_wait3A_133 = tpu.memref_squeeze %dma_wait3A_132 : memref<1x8x128xi32, #tpu.memory_space<vmem>> -> memref<8x128xi32, #tpu.memory_space<vmem>>
      %dma_wait3A_134 = arith.constant 160 : i32
      %dma_wait3A_135 = tpu.memref_slice %arg2[%dma_wait3A_134, %mul3A_2] : memref<200x4096xi32, #tpu.memory_space<hbm>> -> memref<8x128xi32, #tpu.memory_space<hbm>>
      %dma_wait3A_136 = arith.constant 0 : i32
      %dma_wait3A_137 = arith.constant 0 : i32
      %dma_wait3A_138 = tpu.memref_slice %arg5[%run_scoped3A_22, %dma_wait3A_136, %dma_wait3A_137] : memref<25x8x128xi32, #tpu.memory_space<vmem>> -> memref<1x8x128xi32, #tpu.memory_space<vmem>>
      %dma_wait3A_139 = tpu.memref_squeeze %dma_wait3A_138 : memref<1x8x128xi32, #tpu.memory_space<vmem>> -> memref<8x128xi32, #tpu.memory_space<vmem>>
      %dma_wait3A_140 = arith.constant 160 : i32
      %dma_wait3A_141 = tpu.memref_slice %arg2[%dma_wait3A_140, %mul3A_2] : memref<200x4096xi32, #tpu.memory_space<hbm>> -> memref<8x128xi32, #tpu.memory_space<hbm>>
      tpu.wait_dma2 semaphore(%run_scoped3A_117 : memref<!tpu.dma_semaphore, #tpu.memory_space<semaphore_mem>>) src(%dma_wait3A_141 : memref<8x128xi32, #tpu.memory_space<hbm>>) dst(%dma_wait3A_139 : memref<8x128xi32, #tpu.memory_space<vmem>>)
      tpu.yield
    }) : () -> ()
    %run_scoped3A_23 = arith.constant 21 : i32
    "tpu.region"() ({
      %run_scoped3A_117 = tpu.sem_alloc : memref<!tpu.dma_semaphore, #tpu.memory_space<semaphore_mem>>
      %dma_start3A_118 = arith.constant 0 : i32
      %dma_start3A_119 = arith.constant 0 : i32
      %dma_start3A_120 = tpu.memref_slice %arg5[%run_scoped3A_23, %dma_start3A_118, %dma_start3A_119] : memref<25x8x128xi32, #tpu.memory_space<vmem>> -> memref<1x8x128xi32, #tpu.memory_space<vmem>>
      %dma_start3A_121 = tpu.memref_squeeze %dma_start3A_120 : memref<1x8x128xi32, #tpu.memory_space<vmem>> -> memref<8x128xi32, #tpu.memory_space<vmem>>
      %dma_start3A_122 = arith.constant 168 : i32
      %dma_start3A_123 = tpu.memref_slice %arg2[%dma_start3A_122, %mul3A_2] : memref<200x4096xi32, #tpu.memory_space<hbm>> -> memref<8x128xi32, #tpu.memory_space<hbm>>
      %dma_start3A_124 = arith.constant 0 : i32
      %dma_start3A_125 = arith.constant 0 : i32
      %dma_start3A_126 = tpu.memref_slice %arg5[%run_scoped3A_23, %dma_start3A_124, %dma_start3A_125] : memref<25x8x128xi32, #tpu.memory_space<vmem>> -> memref<1x8x128xi32, #tpu.memory_space<vmem>>
      %dma_start3A_127 = tpu.memref_squeeze %dma_start3A_126 : memref<1x8x128xi32, #tpu.memory_space<vmem>> -> memref<8x128xi32, #tpu.memory_space<vmem>>
      %dma_start3A_128 = arith.constant 168 : i32
      %dma_start3A_129 = tpu.memref_slice %arg2[%dma_start3A_128, %mul3A_2] : memref<200x4096xi32, #tpu.memory_space<hbm>> -> memref<8x128xi32, #tpu.memory_space<hbm>>
      tpu.enqueue_dma source(%dma_start3A_129 : memref<8x128xi32, #tpu.memory_space<hbm>>) target(%dma_start3A_127 : memref<8x128xi32, #tpu.memory_space<vmem>>) target_semaphore(%run_scoped3A_117 : memref<!tpu.dma_semaphore, #tpu.memory_space<semaphore_mem>>)
      %dma_wait3A_130 = arith.constant 0 : i32
      %dma_wait3A_131 = arith.constant 0 : i32
      %dma_wait3A_132 = tpu.memref_slice %arg5[%run_scoped3A_23, %dma_wait3A_130, %dma_wait3A_131] : memref<25x8x128xi32, #tpu.memory_space<vmem>> -> memref<1x8x128xi32, #tpu.memory_space<vmem>>
      %dma_wait3A_133 = tpu.memref_squeeze %dma_wait3A_132 : memref<1x8x128xi32, #tpu.memory_space<vmem>> -> memref<8x128xi32, #tpu.memory_space<vmem>>
      %dma_wait3A_134 = arith.constant 168 : i32
      %dma_wait3A_135 = tpu.memref_slice %arg2[%dma_wait3A_134, %mul3A_2] : memref<200x4096xi32, #tpu.memory_space<hbm>> -> memref<8x128xi32, #tpu.memory_space<hbm>>
      %dma_wait3A_136 = arith.constant 0 : i32
      %dma_wait3A_137 = arith.constant 0 : i32
      %dma_wait3A_138 = tpu.memref_slice %arg5[%run_scoped3A_23, %dma_wait3A_136, %dma_wait3A_137] : memref<25x8x128xi32, #tpu.memory_space<vmem>> -> memref<1x8x128xi32, #tpu.memory_space<vmem>>
      %dma_wait3A_139 = tpu.memref_squeeze %dma_wait3A_138 : memref<1x8x128xi32, #tpu.memory_space<vmem>> -> memref<8x128xi32, #tpu.memory_space<vmem>>
      %dma_wait3A_140 = arith.constant 168 : i32
      %dma_wait3A_141 = tpu.memref_slice %arg2[%dma_wait3A_140, %mul3A_2] : memref<200x4096xi32, #tpu.memory_space<hbm>> -> memref<8x128xi32, #tpu.memory_space<hbm>>
      tpu.wait_dma2 semaphore(%run_scoped3A_117 : memref<!tpu.dma_semaphore, #tpu.memory_space<semaphore_mem>>) src(%dma_wait3A_141 : memref<8x128xi32, #tpu.memory_space<hbm>>) dst(%dma_wait3A_139 : memref<8x128xi32, #tpu.memory_space<vmem>>)
      tpu.yield
    }) : () -> ()
    %run_scoped3A_24 = arith.constant 22 : i32
    "tpu.region"() ({
      %run_scoped3A_117 = tpu.sem_alloc : memref<!tpu.dma_semaphore, #tpu.memory_space<semaphore_mem>>
      %dma_start3A_118 = arith.constant 0 : i32
      %dma_start3A_119 = arith.constant 0 : i32
      %dma_start3A_120 = tpu.memref_slice %arg5[%run_scoped3A_24, %dma_start3A_118, %dma_start3A_119] : memref<25x8x128xi32, #tpu.memory_space<vmem>> -> memref<1x8x128xi32, #tpu.memory_space<vmem>>
      %dma_start3A_121 = tpu.memref_squeeze %dma_start3A_120 : memref<1x8x128xi32, #tpu.memory_space<vmem>> -> memref<8x128xi32, #tpu.memory_space<vmem>>
      %dma_start3A_122 = arith.constant 176 : i32
      %dma_start3A_123 = tpu.memref_slice %arg2[%dma_start3A_122, %mul3A_2] : memref<200x4096xi32, #tpu.memory_space<hbm>> -> memref<8x128xi32, #tpu.memory_space<hbm>>
      %dma_start3A_124 = arith.constant 0 : i32
      %dma_start3A_125 = arith.constant 0 : i32
      %dma_start3A_126 = tpu.memref_slice %arg5[%run_scoped3A_24, %dma_start3A_124, %dma_start3A_125] : memref<25x8x128xi32, #tpu.memory_space<vmem>> -> memref<1x8x128xi32, #tpu.memory_space<vmem>>
      %dma_start3A_127 = tpu.memref_squeeze %dma_start3A_126 : memref<1x8x128xi32, #tpu.memory_space<vmem>> -> memref<8x128xi32, #tpu.memory_space<vmem>>
      %dma_start3A_128 = arith.constant 176 : i32
      %dma_start3A_129 = tpu.memref_slice %arg2[%dma_start3A_128, %mul3A_2] : memref<200x4096xi32, #tpu.memory_space<hbm>> -> memref<8x128xi32, #tpu.memory_space<hbm>>
      tpu.enqueue_dma source(%dma_start3A_129 : memref<8x128xi32, #tpu.memory_space<hbm>>) target(%dma_start3A_127 : memref<8x128xi32, #tpu.memory_space<vmem>>) target_semaphore(%run_scoped3A_117 : memref<!tpu.dma_semaphore, #tpu.memory_space<semaphore_mem>>)
      %dma_wait3A_130 = arith.constant 0 : i32
      %dma_wait3A_131 = arith.constant 0 : i32
      %dma_wait3A_132 = tpu.memref_slice %arg5[%run_scoped3A_24, %dma_wait3A_130, %dma_wait3A_131] : memref<25x8x128xi32, #tpu.memory_space<vmem>> -> memref<1x8x128xi32, #tpu.memory_space<vmem>>
      %dma_wait3A_133 = tpu.memref_squeeze %dma_wait3A_132 : memref<1x8x128xi32, #tpu.memory_space<vmem>> -> memref<8x128xi32, #tpu.memory_space<vmem>>
      %dma_wait3A_134 = arith.constant 176 : i32
      %dma_wait3A_135 = tpu.memref_slice %arg2[%dma_wait3A_134, %mul3A_2] : memref<200x4096xi32, #tpu.memory_space<hbm>> -> memref<8x128xi32, #tpu.memory_space<hbm>>
      %dma_wait3A_136 = arith.constant 0 : i32
      %dma_wait3A_137 = arith.constant 0 : i32
      %dma_wait3A_138 = tpu.memref_slice %arg5[%run_scoped3A_24, %dma_wait3A_136, %dma_wait3A_137] : memref<25x8x128xi32, #tpu.memory_space<vmem>> -> memref<1x8x128xi32, #tpu.memory_space<vmem>>
      %dma_wait3A_139 = tpu.memref_squeeze %dma_wait3A_138 : memref<1x8x128xi32, #tpu.memory_space<vmem>> -> memref<8x128xi32, #tpu.memory_space<vmem>>
      %dma_wait3A_140 = arith.constant 176 : i32
      %dma_wait3A_141 = tpu.memref_slice %arg2[%dma_wait3A_140, %mul3A_2] : memref<200x4096xi32, #tpu.memory_space<hbm>> -> memref<8x128xi32, #tpu.memory_space<hbm>>
      tpu.wait_dma2 semaphore(%run_scoped3A_117 : memref<!tpu.dma_semaphore, #tpu.memory_space<semaphore_mem>>) src(%dma_wait3A_141 : memref<8x128xi32, #tpu.memory_space<hbm>>) dst(%dma_wait3A_139 : memref<8x128xi32, #tpu.memory_space<vmem>>)
      tpu.yield
    }) : () -> ()
    %run_scoped3A_25 = arith.constant 23 : i32
    "tpu.region"() ({
      %run_scoped3A_117 = tpu.sem_alloc : memref<!tpu.dma_semaphore, #tpu.memory_space<semaphore_mem>>
      %dma_start3A_118 = arith.constant 0 : i32
      %dma_start3A_119 = arith.constant 0 : i32
      %dma_start3A_120 = tpu.memref_slice %arg5[%run_scoped3A_25, %dma_start3A_118, %dma_start3A_119] : memref<25x8x128xi32, #tpu.memory_space<vmem>> -> memref<1x8x128xi32, #tpu.memory_space<vmem>>
      %dma_start3A_121 = tpu.memref_squeeze %dma_start3A_120 : memref<1x8x128xi32, #tpu.memory_space<vmem>> -> memref<8x128xi32, #tpu.memory_space<vmem>>
      %dma_start3A_122 = arith.constant 184 : i32
      %dma_start3A_123 = tpu.memref_slice %arg2[%dma_start3A_122, %mul3A_2] : memref<200x4096xi32, #tpu.memory_space<hbm>> -> memref<8x128xi32, #tpu.memory_space<hbm>>
      %dma_start3A_124 = arith.constant 0 : i32
      %dma_start3A_125 = arith.constant 0 : i32
      %dma_start3A_126 = tpu.memref_slice %arg5[%run_scoped3A_25, %dma_start3A_124, %dma_start3A_125] : memref<25x8x128xi32, #tpu.memory_space<vmem>> -> memref<1x8x128xi32, #tpu.memory_space<vmem>>
      %dma_start3A_127 = tpu.memref_squeeze %dma_start3A_126 : memref<1x8x128xi32, #tpu.memory_space<vmem>> -> memref<8x128xi32, #tpu.memory_space<vmem>>
      %dma_start3A_128 = arith.constant 184 : i32
      %dma_start3A_129 = tpu.memref_slice %arg2[%dma_start3A_128, %mul3A_2] : memref<200x4096xi32, #tpu.memory_space<hbm>> -> memref<8x128xi32, #tpu.memory_space<hbm>>
      tpu.enqueue_dma source(%dma_start3A_129 : memref<8x128xi32, #tpu.memory_space<hbm>>) target(%dma_start3A_127 : memref<8x128xi32, #tpu.memory_space<vmem>>) target_semaphore(%run_scoped3A_117 : memref<!tpu.dma_semaphore, #tpu.memory_space<semaphore_mem>>)
      %dma_wait3A_130 = arith.constant 0 : i32
      %dma_wait3A_131 = arith.constant 0 : i32
      %dma_wait3A_132 = tpu.memref_slice %arg5[%run_scoped3A_25, %dma_wait3A_130, %dma_wait3A_131] : memref<25x8x128xi32, #tpu.memory_space<vmem>> -> memref<1x8x128xi32, #tpu.memory_space<vmem>>
      %dma_wait3A_133 = tpu.memref_squeeze %dma_wait3A_132 : memref<1x8x128xi32, #tpu.memory_space<vmem>> -> memref<8x128xi32, #tpu.memory_space<vmem>>
      %dma_wait3A_134 = arith.constant 184 : i32
      %dma_wait3A_135 = tpu.memref_slice %arg2[%dma_wait3A_134, %mul3A_2] : memref<200x4096xi32, #tpu.memory_space<hbm>> -> memref<8x128xi32, #tpu.memory_space<hbm>>
      %dma_wait3A_136 = arith.constant 0 : i32
      %dma_wait3A_137 = arith.constant 0 : i32
      %dma_wait3A_138 = tpu.memref_slice %arg5[%run_scoped3A_25, %dma_wait3A_136, %dma_wait3A_137] : memref<25x8x128xi32, #tpu.memory_space<vmem>> -> memref<1x8x128xi32, #tpu.memory_space<vmem>>
      %dma_wait3A_139 = tpu.memref_squeeze %dma_wait3A_138 : memref<1x8x128xi32, #tpu.memory_space<vmem>> -> memref<8x128xi32, #tpu.memory_space<vmem>>
      %dma_wait3A_140 = arith.constant 184 : i32
      %dma_wait3A_141 = tpu.memref_slice %arg2[%dma_wait3A_140, %mul3A_2] : memref<200x4096xi32, #tpu.memory_space<hbm>> -> memref<8x128xi32, #tpu.memory_space<hbm>>
      tpu.wait_dma2 semaphore(%run_scoped3A_117 : memref<!tpu.dma_semaphore, #tpu.memory_space<semaphore_mem>>) src(%dma_wait3A_141 : memref<8x128xi32, #tpu.memory_space<hbm>>) dst(%dma_wait3A_139 : memref<8x128xi32, #tpu.memory_space<vmem>>)
      tpu.yield
    }) : () -> ()
    %run_scoped3A_26 = arith.constant 24 : i32
    "tpu.region"() ({
      %run_scoped3A_117 = tpu.sem_alloc : memref<!tpu.dma_semaphore, #tpu.memory_space<semaphore_mem>>
      %dma_start3A_118 = arith.constant 0 : i32
      %dma_start3A_119 = arith.constant 0 : i32
      %dma_start3A_120 = tpu.memref_slice %arg5[%run_scoped3A_26, %dma_start3A_118, %dma_start3A_119] : memref<25x8x128xi32, #tpu.memory_space<vmem>> -> memref<1x8x128xi32, #tpu.memory_space<vmem>>
      %dma_start3A_121 = tpu.memref_squeeze %dma_start3A_120 : memref<1x8x128xi32, #tpu.memory_space<vmem>> -> memref<8x128xi32, #tpu.memory_space<vmem>>
      %dma_start3A_122 = arith.constant 192 : i32
      %dma_start3A_123 = tpu.memref_slice %arg2[%dma_start3A_122, %mul3A_2] : memref<200x4096xi32, #tpu.memory_space<hbm>> -> memref<8x128xi32, #tpu.memory_space<hbm>>
      %dma_start3A_124 = arith.constant 0 : i32
      %dma_start3A_125 = arith.constant 0 : i32
      %dma_start3A_126 = tpu.memref_slice %arg5[%run_scoped3A_26, %dma_start3A_124, %dma_start3A_125] : memref<25x8x128xi32, #tpu.memory_space<vmem>> -> memref<1x8x128xi32, #tpu.memory_space<vmem>>
      %dma_start3A_127 = tpu.memref_squeeze %dma_start3A_126 : memref<1x8x128xi32, #tpu.memory_space<vmem>> -> memref<8x128xi32, #tpu.memory_space<vmem>>
      %dma_start3A_128 = arith.constant 192 : i32
      %dma_start3A_129 = tpu.memref_slice %arg2[%dma_start3A_128, %mul3A_2] : memref<200x4096xi32, #tpu.memory_space<hbm>> -> memref<8x128xi32, #tpu.memory_space<hbm>>
      tpu.enqueue_dma source(%dma_start3A_129 : memref<8x128xi32, #tpu.memory_space<hbm>>) target(%dma_start3A_127 : memref<8x128xi32, #tpu.memory_space<vmem>>) target_semaphore(%run_scoped3A_117 : memref<!tpu.dma_semaphore, #tpu.memory_space<semaphore_mem>>)
      %dma_wait3A_130 = arith.constant 0 : i32
      %dma_wait3A_131 = arith.constant 0 : i32
      %dma_wait3A_132 = tpu.memref_slice %arg5[%run_scoped3A_26, %dma_wait3A_130, %dma_wait3A_131] : memref<25x8x128xi32, #tpu.memory_space<vmem>> -> memref<1x8x128xi32, #tpu.memory_space<vmem>>
      %dma_wait3A_133 = tpu.memref_squeeze %dma_wait3A_132 : memref<1x8x128xi32, #tpu.memory_space<vmem>> -> memref<8x128xi32, #tpu.memory_space<vmem>>
      %dma_wait3A_134 = arith.constant 192 : i32
      %dma_wait3A_135 = tpu.memref_slice %arg2[%dma_wait3A_134, %mul3A_2] : memref<200x4096xi32, #tpu.memory_space<hbm>> -> memref<8x128xi32, #tpu.memory_space<hbm>>
      %dma_wait3A_136 = arith.constant 0 : i32
      %dma_wait3A_137 = arith.constant 0 : i32
      %dma_wait3A_138 = tpu.memref_slice %arg5[%run_scoped3A_26, %dma_wait3A_136, %dma_wait3A_137] : memref<25x8x128xi32, #tpu.memory_space<vmem>> -> memref<1x8x128xi32, #tpu.memory_space<vmem>>
      %dma_wait3A_139 = tpu.memref_squeeze %dma_wait3A_138 : memref<1x8x128xi32, #tpu.memory_space<vmem>> -> memref<8x128xi32, #tpu.memory_space<vmem>>
      %dma_wait3A_140 = arith.constant 192 : i32
      %dma_wait3A_141 = tpu.memref_slice %arg2[%dma_wait3A_140, %mul3A_2] : memref<200x4096xi32, #tpu.memory_space<hbm>> -> memref<8x128xi32, #tpu.memory_space<hbm>>
      tpu.wait_dma2 semaphore(%run_scoped3A_117 : memref<!tpu.dma_semaphore, #tpu.memory_space<semaphore_mem>>) src(%dma_wait3A_141 : memref<8x128xi32, #tpu.memory_space<hbm>>) dst(%dma_wait3A_139 : memref<8x128xi32, #tpu.memory_space<vmem>>)
      tpu.yield
    }) : () -> ()
    %dma_start3A = arith.constant 0 : i32
    %dma_start3A_27 = arith.constant 0 : i32
    %dma_start3A_28 = arith.constant 0 : i32
    %dma_start3A_29 = arith.constant 0 : i32
    %dma_start3A_30 = arith.constant 0 : i32
    %dma_start3A_31 = tpu.memref_slice %arg6[%dma_start3A_29, %dma_start3A_30] : memref<512x128xf32, #tpu.memory_space<vmem>> -> memref<128x128xf32, #tpu.memory_space<vmem>>
    %dma_start3A_32 = arith.constant 0 : i32
    %dma_start3A_33 = tpu.memref_slice %arg5[%dma_start3A, %dma_start3A_27, %dma_start3A_32] : memref<25x8x128xi32, #tpu.memory_space<vmem>> -> memref<1x1x128xi32, #tpu.memory_space<vmem>>
    %dma_start3A_34 = tpu.memref_squeeze %dma_start3A_33 : memref<1x1x128xi32, #tpu.memory_space<vmem>> -> memref<128xi32, #tpu.memory_space<vmem>>
    %dma_start3A_35 = arith.constant 0 : i32
    %dma_start3A_36 = arith.constant 0 : i32
    %dma_start3A_37 = tpu.memref_slice %arg3[%dma_start3A_35, %dma_start3A_36] : memref<1000000x128xf32, #tpu.memory_space<hbm>> -> memref<1000000x128xf32, #tpu.memory_space<hbm>>
    %dma_start3A_38 = tpu.memref_slice %arg7[%dma_start3A_28] : memref<4x!tpu.dma_semaphore, #tpu.memory_space<semaphore_mem>> -> memref<1x!tpu.dma_semaphore, #tpu.memory_space<semaphore_mem>>
    %dma_start3A_39 = tpu.memref_squeeze %dma_start3A_38 : memref<1x!tpu.dma_semaphore, #tpu.memory_space<semaphore_mem>> -> memref<!tpu.dma_semaphore, #tpu.memory_space<semaphore_mem>>
    tpu.enqueue_indirect_dma source(%dma_start3A_37 : memref<1000000x128xf32, #tpu.memory_space<hbm>>) target(%dma_start3A_31 : memref<128x128xf32, #tpu.memory_space<vmem>>) offsets(%dma_start3A_34 : memref<128xi32, #tpu.memory_space<vmem>>) semaphore(%dma_start3A_39 : memref<!tpu.dma_semaphore, #tpu.memory_space<semaphore_mem>>)
    %dma_start3A_40 = arith.constant 0 : i32
    %dma_start3A_41 = arith.constant 1 : i32
    %dma_start3A_42 = arith.constant 1 : i32
    %dma_start3A_43 = arith.constant 128 : i32
    %dma_start3A_44 = arith.constant 0 : i32
    %dma_start3A_45 = tpu.memref_slice %arg6[%dma_start3A_43, %dma_start3A_44] : memref<512x128xf32, #tpu.memory_space<vmem>> -> memref<128x128xf32, #tpu.memory_space<vmem>>
    %dma_start3A_46 = arith.constant 0 : i32
    %dma_start3A_47 = tpu.memref_slice %arg5[%dma_start3A_40, %dma_start3A_41, %dma_start3A_46] : memref<25x8x128xi32, #tpu.memory_space<vmem>> -> memref<1x1x128xi32, #tpu.memory_space<vmem>>
    %dma_start3A_48 = tpu.memref_squeeze %dma_start3A_47 : memref<1x1x128xi32, #tpu.memory_space<vmem>> -> memref<128xi32, #tpu.memory_space<vmem>>
    %dma_start3A_49 = arith.constant 0 : i32
    %dma_start3A_50 = arith.constant 0 : i32
    %dma_start3A_51 = tpu.memref_slice %arg3[%dma_start3A_49, %dma_start3A_50] : memref<1000000x128xf32, #tpu.memory_space<hbm>> -> memref<1000000x128xf32, #tpu.memory_space<hbm>>
    %dma_start3A_52 = tpu.memref_slice %arg7[%dma_start3A_42] : memref<4x!tpu.dma_semaphore, #tpu.memory_space<semaphore_mem>> -> memref<1x!tpu.dma_semaphore, #tpu.memory_space<semaphore_mem>>
    %dma_start3A_53 = tpu.memref_squeeze %dma_start3A_52 : memref<1x!tpu.dma_semaphore, #tpu.memory_space<semaphore_mem>> -> memref<!tpu.dma_semaphore, #tpu.memory_space<semaphore_mem>>
    tpu.enqueue_indirect_dma source(%dma_start3A_51 : memref<1000000x128xf32, #tpu.memory_space<hbm>>) target(%dma_start3A_45 : memref<128x128xf32, #tpu.memory_space<vmem>>) offsets(%dma_start3A_48 : memref<128xi32, #tpu.memory_space<vmem>>) semaphore(%dma_start3A_53 : memref<!tpu.dma_semaphore, #tpu.memory_space<semaphore_mem>>)
    %scan3A = arith.constant 0 : i32
    %scan3A_54 = arith.constant 200 : i32
    %scan3A_55 = arith.addi %scan3A, %scan3A_54 : i32
    %scan3A_56 = arith.constant 1 : i32
    scf.for %scan3A_117 = %scan3A to %scan3A_55 step %scan3A_56  : i32 {
      %mul3A_118 = arith.constant 1 : i32
      %mul3A_119 = arith.muli %scan3A_117, %mul3A_118 : i32
      %add3A_120 = arith.constant 0 : i32
      %add3A_121 = arith.addi %add3A_120, %mul3A_119 : i32
      %and3A = arith.constant 3 : i32
      %and3A_122 = arith.andi %add3A_121, %and3A : i32
      %add3A_123 = arith.constant 2 : i32
      %add3A_124 = arith.addi %add3A_121, %add3A_123 : i32
      %lt3A = arith.constant 200 : i32
      %lt3A_125 = arith.cmpi slt, %add3A_124, %lt3A : i32
      %convert_element_type3A = arith.extui %lt3A_125 : i1 to i32
      %cond3A = arith.constant 0 : i32
      %cond3A_126 = arith.cmpi ne, %convert_element_type3A, %cond3A : i32
      scf.if %cond3A_126 {
        %ge3A = arith.constant 2 : i32
        %ge3A_158 = arith.cmpi sge, %add3A_121, %ge3A : i32
        %convert_element_type3A_159 = arith.extui %ge3A_158 : i1 to i32
        %cond3A_160 = arith.constant 0 : i32
        %cond3A_161 = arith.cmpi ne, %convert_element_type3A_159, %cond3A_160 : i32
        scf.if %cond3A_161 {
          %add3A_181 = arith.constant 2 : i32
          %add3A_182 = arith.addi %add3A_121, %add3A_181 : i32
          %and3A_183 = arith.constant 3 : i32
          %and3A_184 = arith.andi %add3A_182, %and3A_183 : i32
          %mul3A_185 = arith.constant 128 : i32
          %mul3A_186 = arith.muli %and3A_184, %mul3A_185 : i32
          %dma_wait3A_187 = arith.constant 0 : i32
          %dma_wait3A_188 = tpu.memref_slice %arg6[%mul3A_186, %dma_wait3A_187] : memref<512x128xf32, #tpu.memory_space<vmem>> -> memref<128x128xf32, #tpu.memory_space<vmem>>
          %dma_wait3A_189 = arith.constant 0 : i32
          %dma_wait3A_190 = arith.constant 0 : i32
          %dma_wait3A_191 = tpu.memref_slice %arg4[%dma_wait3A_189, %dma_wait3A_190] : memref<819200x128xf32, #tpu.memory_space<hbm>> -> memref<128x128xf32, #tpu.memory_space<hbm>>
          %dma_wait3A_192 = tpu.memref_slice %arg8[%and3A_184] : memref<4x!tpu.dma_semaphore, #tpu.memory_space<semaphore_mem>> -> memref<1x!tpu.dma_semaphore, #tpu.memory_space<semaphore_mem>>
          %dma_wait3A_193 = tpu.memref_squeeze %dma_wait3A_192 : memref<1x!tpu.dma_semaphore, #tpu.memory_space<semaphore_mem>> -> memref<!tpu.dma_semaphore, #tpu.memory_space<semaphore_mem>>
          %dma_wait3A_194 = arith.constant 0 : i32
          %dma_wait3A_195 = arith.constant 0 : i32
          %dma_wait3A_196 = tpu.memref_slice %arg4[%dma_wait3A_194, %dma_wait3A_195] : memref<819200x128xf32, #tpu.memory_space<hbm>> -> memref<128x128xf32, #tpu.memory_space<hbm>>
          %dma_wait3A_197 = arith.constant 0 : i32
          %dma_wait3A_198 = tpu.memref_slice %arg6[%mul3A_186, %dma_wait3A_197] : memref<512x128xf32, #tpu.memory_space<vmem>> -> memref<128x128xf32, #tpu.memory_space<vmem>>
          tpu.wait_dma2 semaphore(%dma_wait3A_193 : memref<!tpu.dma_semaphore, #tpu.memory_space<semaphore_mem>>) src(%dma_wait3A_198 : memref<128x128xf32, #tpu.memory_space<vmem>>) dst(%dma_wait3A_196 : memref<128x128xf32, #tpu.memory_space<hbm>>)
        } else {
        }
        %add3A_162 = arith.constant 2 : i32
        %add3A_163 = arith.addi %add3A_121, %add3A_162 : i32
        %and3A_164 = arith.constant 3 : i32
        %and3A_165 = arith.andi %add3A_163, %and3A_164 : i32
        %shift_right_arithmetic3A = arith.constant 3 : i32
        %shift_right_arithmetic3A_166 = arith.shrsi %add3A_163, %shift_right_arithmetic3A : i32
        %and3A_167 = arith.constant 7 : i32
        %and3A_168 = arith.andi %add3A_163, %and3A_167 : i32
        %mul3A_169 = arith.constant 128 : i32
        %mul3A_170 = arith.muli %and3A_165, %mul3A_169 : i32
        %dma_start3A_171 = arith.constant 0 : i32
        %dma_start3A_172 = tpu.memref_slice %arg6[%mul3A_170, %dma_start3A_171] : memref<512x128xf32, #tpu.memory_space<vmem>> -> memref<128x128xf32, #tpu.memory_space<vmem>>
        %dma_start3A_173 = arith.constant 0 : i32
        %dma_start3A_174 = tpu.memref_slice %arg5[%shift_right_arithmetic3A_166, %and3A_168, %dma_start3A_173] : memref<25x8x128xi32, #tpu.memory_space<vmem>> -> memref<1x1x128xi32, #tpu.memory_space<vmem>>
        %dma_start3A_175 = tpu.memref_squeeze %dma_start3A_174 : memref<1x1x128xi32, #tpu.memory_space<vmem>> -> memref<128xi32, #tpu.memory_space<vmem>>
        %dma_start3A_176 = arith.constant 0 : i32
        %dma_start3A_177 = arith.constant 0 : i32
        %dma_start3A_178 = tpu.memref_slice %arg3[%dma_start3A_176, %dma_start3A_177] : memref<1000000x128xf32, #tpu.memory_space<hbm>> -> memref<1000000x128xf32, #tpu.memory_space<hbm>>
        %dma_start3A_179 = tpu.memref_slice %arg7[%and3A_165] : memref<4x!tpu.dma_semaphore, #tpu.memory_space<semaphore_mem>> -> memref<1x!tpu.dma_semaphore, #tpu.memory_space<semaphore_mem>>
        %dma_start3A_180 = tpu.memref_squeeze %dma_start3A_179 : memref<1x!tpu.dma_semaphore, #tpu.memory_space<semaphore_mem>> -> memref<!tpu.dma_semaphore, #tpu.memory_space<semaphore_mem>>
        tpu.enqueue_indirect_dma source(%dma_start3A_178 : memref<1000000x128xf32, #tpu.memory_space<hbm>>) target(%dma_start3A_172 : memref<128x128xf32, #tpu.memory_space<vmem>>) offsets(%dma_start3A_175 : memref<128xi32, #tpu.memory_space<vmem>>) semaphore(%dma_start3A_180 : memref<!tpu.dma_semaphore, #tpu.memory_space<semaphore_mem>>)
      } else {
      }
      %mul3A_127 = arith.constant 128 : i32
      %mul3A_128 = arith.muli %and3A_122, %mul3A_127 : i32
      %dma_wait3A_129 = arith.constant 0 : i32
      %dma_wait3A_130 = tpu.memref_slice %arg6[%mul3A_128, %dma_wait3A_129] : memref<512x128xf32, #tpu.memory_space<vmem>> -> memref<128x128xf32, #tpu.memory_space<vmem>>
      %dma_wait3A_131 = arith.constant 0 : i32
      %dma_wait3A_132 = arith.constant 0 : i32
      %dma_wait3A_133 = tpu.memref_slice %arg3[%dma_wait3A_131, %dma_wait3A_132] : memref<1000000x128xf32, #tpu.memory_space<hbm>> -> memref<128x128xf32, #tpu.memory_space<hbm>>
      %dma_wait3A_134 = tpu.memref_slice %arg7[%and3A_122] : memref<4x!tpu.dma_semaphore, #tpu.memory_space<semaphore_mem>> -> memref<1x!tpu.dma_semaphore, #tpu.memory_space<semaphore_mem>>
      %dma_wait3A_135 = tpu.memref_squeeze %dma_wait3A_134 : memref<1x!tpu.dma_semaphore, #tpu.memory_space<semaphore_mem>> -> memref<!tpu.dma_semaphore, #tpu.memory_space<semaphore_mem>>
      %dma_wait3A_136 = arith.constant 0 : i32
      %dma_wait3A_137 = tpu.memref_slice %arg6[%mul3A_128, %dma_wait3A_136] : memref<512x128xf32, #tpu.memory_space<vmem>> -> memref<128x128xf32, #tpu.memory_space<vmem>>
      %dma_wait3A_138 = arith.constant 0 : i32
      %dma_wait3A_139 = arith.constant 0 : i32
      %dma_wait3A_140 = tpu.memref_slice %arg3[%dma_wait3A_138, %dma_wait3A_139] : memref<1000000x128xf32, #tpu.memory_space<hbm>> -> memref<128x128xf32, #tpu.memory_space<hbm>>
      tpu.wait_dma2 semaphore(%dma_wait3A_135 : memref<!tpu.dma_semaphore, #tpu.memory_space<semaphore_mem>>) src(%dma_wait3A_140 : memref<128x128xf32, #tpu.memory_space<hbm>>) dst(%dma_wait3A_137 : memref<128x128xf32, #tpu.memory_space<vmem>>)
      %and3A_141 = arith.constant 3 : i32
      %and3A_142 = arith.andi %add3A_121, %and3A_141 : i32
      %mul3A_143 = arith.constant 128 : i32
      %mul3A_144 = arith.muli %and3A_142, %mul3A_143 : i32
      %mul3A_145 = arith.constant 4096 : i32
      %mul3A_146 = arith.muli %add3A_121, %mul3A_145 : i32
      %add3A_147 = arith.addi %mul3A_146, %mul3A_2 : i32
      %dma_start3A_148 = arith.constant 0 : i32
      %dma_start3A_149 = tpu.memref_slice %arg6[%mul3A_144, %dma_start3A_148] : memref<512x128xf32, #tpu.memory_space<vmem>> -> memref<128x128xf32, #tpu.memory_space<vmem>>
      %dma_start3A_150 = arith.constant 0 : i32
      %dma_start3A_151 = tpu.memref_slice %arg4[%add3A_147, %dma_start3A_150] : memref<819200x128xf32, #tpu.memory_space<hbm>> -> memref<128x128xf32, #tpu.memory_space<hbm>>
      %dma_start3A_152 = tpu.memref_slice %arg8[%and3A_142] : memref<4x!tpu.dma_semaphore, #tpu.memory_space<semaphore_mem>> -> memref<1x!tpu.dma_semaphore, #tpu.memory_space<semaphore_mem>>
      %dma_start3A_153 = tpu.memref_squeeze %dma_start3A_152 : memref<1x!tpu.dma_semaphore, #tpu.memory_space<semaphore_mem>> -> memref<!tpu.dma_semaphore, #tpu.memory_space<semaphore_mem>>
      %dma_start3A_154 = arith.constant 0 : i32
      %dma_start3A_155 = tpu.memref_slice %arg4[%add3A_147, %dma_start3A_154] : memref<819200x128xf32, #tpu.memory_space<hbm>> -> memref<128x128xf32, #tpu.memory_space<hbm>>
      %dma_start3A_156 = arith.constant 0 : i32
      %dma_start3A_157 = tpu.memref_slice %arg6[%mul3A_144, %dma_start3A_156] : memref<512x128xf32, #tpu.memory_space<vmem>> -> memref<128x128xf32, #tpu.memory_space<vmem>>
      tpu.enqueue_dma source(%dma_start3A_157 : memref<128x128xf32, #tpu.memory_space<vmem>>) target(%dma_start3A_155 : memref<128x128xf32, #tpu.memory_space<hbm>>) target_semaphore(%dma_start3A_153 : memref<!tpu.dma_semaphore, #tpu.memory_space<semaphore_mem>>)
    }
    %scan3A_57 = arith.constant 200 : i32
    %dma_wait3A = arith.constant 0 : i32
    %dma_wait3A_58 = arith.constant 0 : i32
    %dma_wait3A_59 = arith.constant 0 : i32
    %dma_wait3A_60 = tpu.memref_slice %arg6[%dma_wait3A_58, %dma_wait3A_59] : memref<512x128xf32, #tpu.memory_space<vmem>> -> memref<128x128xf32, #tpu.memory_space<vmem>>
    %dma_wait3A_61 = arith.constant 0 : i32
    %dma_wait3A_62 = arith.constant 0 : i32
    %dma_wait3A_63 = tpu.memref_slice %arg4[%dma_wait3A_61, %dma_wait3A_62] : memref<819200x128xf32, #tpu.memory_space<hbm>> -> memref<128x128xf32, #tpu.memory_space<hbm>>
    %dma_wait3A_64 = tpu.memref_slice %arg8[%dma_wait3A] : memref<4x!tpu.dma_semaphore, #tpu.memory_space<semaphore_mem>> -> memref<1x!tpu.dma_semaphore, #tpu.memory_space<semaphore_mem>>
    %dma_wait3A_65 = tpu.memref_squeeze %dma_wait3A_64 : memref<1x!tpu.dma_semaphore, #tpu.memory_space<semaphore_mem>> -> memref<!tpu.dma_semaphore, #tpu.memory_space<semaphore_mem>>
    %dma_wait3A_66 = arith.constant 0 : i32
    %dma_wait3A_67 = arith.constant 0 : i32
    %dma_wait3A_68 = tpu.memref_slice %arg4[%dma_wait3A_66, %dma_wait3A_67] : memref<819200x128xf32, #tpu.memory_space<hbm>> -> memref<128x128xf32, #tpu.memory_space<hbm>>
    %dma_wait3A_69 = arith.constant 0 : i32
    %dma_wait3A_70 = arith.constant 0 : i32
    %dma_wait3A_71 = tpu.memref_slice %arg6[%dma_wait3A_69, %dma_wait3A_70] : memref<512x128xf32, #tpu.memory_space<vmem>> -> memref<128x128xf32, #tpu.memory_space<vmem>>
    tpu.wait_dma2 semaphore(%dma_wait3A_65 : memref<!tpu.dma_semaphore, #tpu.memory_space<semaphore_mem>>) src(%dma_wait3A_71 : memref<128x128xf32, #tpu.memory_space<vmem>>) dst(%dma_wait3A_68 : memref<128x128xf32, #tpu.memory_space<hbm>>)
    %dma_wait3A_72 = arith.constant 1 : i32
    %dma_wait3A_73 = arith.constant 128 : i32
    %dma_wait3A_74 = arith.constant 0 : i32
    %dma_wait3A_75 = tpu.memref_slice %arg6[%dma_wait3A_73, %dma_wait3A_74] : memref<512x128xf32, #tpu.memory_space<vmem>> -> memref<128x128xf32, #tpu.memory_space<vmem>>
    %dma_wait3A_76 = arith.constant 0 : i32
    %dma_wait3A_77 = arith.constant 0 : i32
    %dma_wait3A_78 = tpu.memref_slice %arg4[%dma_wait3A_76, %dma_wait3A_77] : memref<819200x128xf32, #tpu.memory_space<hbm>> -> memref<128x128xf32, #tpu.memory_space<hbm>>
    %dma_wait3A_79 = tpu.memref_slice %arg8[%dma_wait3A_72] : memref<4x!tpu.dma_semaphore, #tpu.memory_space<semaphore_mem>> -> memref<1x!tpu.dma_semaphore, #tpu.memory_space<semaphore_mem>>
    %dma_wait3A_80 = tpu.memref_squeeze %dma_wait3A_79 : memref<1x!tpu.dma_semaphore, #tpu.memory_space<semaphore_mem>> -> memref<!tpu.dma_semaphore, #tpu.memory_space<semaphore_mem>>
    %dma_wait3A_81 = arith.constant 0 : i32
    %dma_wait3A_82 = arith.constant 0 : i32
    %dma_wait3A_83 = tpu.memref_slice %arg4[%dma_wait3A_81, %dma_wait3A_82] : memref<819200x128xf32, #tpu.memory_space<hbm>> -> memref<128x128xf32, #tpu.memory_space<hbm>>
    %dma_wait3A_84 = arith.constant 128 : i32
    %dma_wait3A_85 = arith.constant 0 : i32
    %dma_wait3A_86 = tpu.memref_slice %arg6[%dma_wait3A_84, %dma_wait3A_85] : memref<512x128xf32, #tpu.memory_space<vmem>> -> memref<128x128xf32, #tpu.memory_space<vmem>>
    tpu.wait_dma2 semaphore(%dma_wait3A_80 : memref<!tpu.dma_semaphore, #tpu.memory_space<semaphore_mem>>) src(%dma_wait3A_86 : memref<128x128xf32, #tpu.memory_space<vmem>>) dst(%dma_wait3A_83 : memref<128x128xf32, #tpu.memory_space<hbm>>)
    %dma_wait3A_87 = arith.constant 2 : i32
    %dma_wait3A_88 = arith.constant 256 : i32
    %dma_wait3A_89 = arith.constant 0 : i32
    %dma_wait3A_90 = tpu.memref_slice %arg6[%dma_wait3A_88, %dma_wait3A_89] : memref<512x128xf32, #tpu.memory_space<vmem>> -> memref<128x128xf32, #tpu.memory_space<vmem>>
    %dma_wait3A_91 = arith.constant 0 : i32
    %dma_wait3A_92 = arith.constant 0 : i32
    %dma_wait3A_93 = tpu.memref_slice %arg4[%dma_wait3A_91, %dma_wait3A_92] : memref<819200x128xf32, #tpu.memory_space<hbm>> -> memref<128x128xf32, #tpu.memory_space<hbm>>
    %dma_wait3A_94 = tpu.memref_slice %arg8[%dma_wait3A_87] : memref<4x!tpu.dma_semaphore, #tpu.memory_space<semaphore_mem>> -> memref<1x!tpu.dma_semaphore, #tpu.memory_space<semaphore_mem>>
    %dma_wait3A_95 = tpu.memref_squeeze %dma_wait3A_94 : memref<1x!tpu.dma_semaphore, #tpu.memory_space<semaphore_mem>> -> memref<!tpu.dma_semaphore, #tpu.memory_space<semaphore_mem>>
    %dma_wait3A_96 = arith.constant 0 : i32
    %dma_wait3A_97 = arith.constant 0 : i32
    %dma_wait3A_98 = tpu.memref_slice %arg4[%dma_wait3A_96, %dma_wait3A_97] : memref<819200x128xf32, #tpu.memory_space<hbm>> -> memref<128x128xf32, #tpu.memory_space<hbm>>
    %dma_wait3A_99 = arith.constant 256 : i32
    %dma_wait3A_100 = arith.constant 0 : i32
    %dma_wait3A_101 = tpu.memref_slice %arg6[%dma_wait3A_99, %dma_wait3A_100] : memref<512x128xf32, #tpu.memory_space<vmem>> -> memref<128x128xf32, #tpu.memory_space<vmem>>
    tpu.wait_dma2 semaphore(%dma_wait3A_95 : memref<!tpu.dma_semaphore, #tpu.memory_space<semaphore_mem>>) src(%dma_wait3A_101 : memref<128x128xf32, #tpu.memory_space<vmem>>) dst(%dma_wait3A_98 : memref<128x128xf32, #tpu.memory_space<hbm>>)
    %dma_wait3A_102 = arith.constant 3 : i32
    %dma_wait3A_103 = arith.constant 384 : i32
    %dma_wait3A_104 = arith.constant 0 : i32
    %dma_wait3A_105 = tpu.memref_slice %arg6[%dma_wait3A_103, %dma_wait3A_104] : memref<512x128xf32, #tpu.memory_space<vmem>> -> memref<128x128xf32, #tpu.memory_space<vmem>>
    %dma_wait3A_106 = arith.constant 0 : i32
    %dma_wait3A_107 = arith.constant 0 : i32
    %dma_wait3A_108 = tpu.memref_slice %arg4[%dma_wait3A_106, %dma_wait3A_107] : memref<819200x128xf32, #tpu.memory_space<hbm>> -> memref<128x128xf32, #tpu.memory_space<hbm>>
    %dma_wait3A_109 = tpu.memref_slice %arg8[%dma_wait3A_102] : memref<4x!tpu.dma_semaphore, #tpu.memory_space<semaphore_mem>> -> memref<1x!tpu.dma_semaphore, #tpu.memory_space<semaphore_mem>>
    %dma_wait3A_110 = tpu.memref_squeeze %dma_wait3A_109 : memref<1x!tpu.dma_semaphore, #tpu.memory_space<semaphore_mem>> -> memref<!tpu.dma_semaphore, #tpu.memory_space<semaphore_mem>>
    %dma_wait3A_111 = arith.constant 0 : i32
    %dma_wait3A_112 = arith.constant 0 : i32
    %dma_wait3A_113 = tpu.memref_slice %arg4[%dma_wait3A_111, %dma_wait3A_112] : memref<819200x128xf32, #tpu.memory_space<hbm>> -> memref<128x128xf32, #tpu.memory_space<hbm>>
    %dma_wait3A_114 = arith.constant 384 : i32
    %dma_wait3A_115 = arith.constant 0 : i32
    %dma_wait3A_116 = tpu.memref_slice %arg6[%dma_wait3A_114, %dma_wait3A_115] : memref<512x128xf32, #tpu.memory_space<vmem>> -> memref<128x128xf32, #tpu.memory_space<vmem>>
    tpu.wait_dma2 semaphore(%dma_wait3A_110 : memref<!tpu.dma_semaphore, #tpu.memory_space<semaphore_mem>>) src(%dma_wait3A_116 : memref<128x128xf32, #tpu.memory_space<vmem>>) dst(%dma_wait3A_113 : memref<128x128xf32, #tpu.memory_space<hbm>>)
    return
  }
}

module attributes {stable_mosaic.version = 14 : i64} {
  func.func @_tc_transpose_body(%arg0: i32, %arg1: memref<64x4096xf32, #tpu.memory_space<vmem>>, %arg2: memref<4096x128xf32, #tpu.memory_space<vmem>>) attributes {dimension_semantics = [#tpu.dimension_semantics<arbitrary>], iteration_bounds = array<i64: 245>, scalar_prefetch = 0 : i64, scratch_operands = 0 : i64, tpu.core_type = #tpu.core_type<tc>, window_params = [{transform_indices = @transform_0, window_bounds = array<i64: 64, 4096>}, {transform_indices = @transform_1, window_bounds = array<i64: 4096, 128>}]} {
    %iota3A = tpu.iota {dimensions = array<i32: 0>} : vector<64x64xi32>
    %iota3A_0 = tpu.iota {dimensions = array<i32: 1>} : vector<64x64xi32>
    %add3A = arith.constant 0 : i32
    %add3A_1 = vector.broadcast %add3A : i32 to vector<64x64xi32>
    %add3A_2 = arith.addi %iota3A, %add3A_1 : vector<64x64xi32>
    %eq3A = arith.cmpi eq, %add3A_2, %iota3A_0 : vector<64x64xi32>
    %convert_element_type3A = arith.extui %eq3A : vector<64x64xi1> to vector<64x64xi32>
    %convert_element_type3A_3 = arith.sitofp %convert_element_type3A : vector<64x64xi32> to vector<64x64xf32>
    %get3A = arith.constant 0 : index
    %get3A_4 = arith.constant 0 : index
    %get3A_5 = vector.load %arg1[%get3A, %get3A_4] : memref<64x4096xf32, #tpu.memory_space<vmem>>, vector<64x4096xf32>
    %dot_general3A = arith.constant dense<0.000000e+00> : vector<4096x64xf32>
    %dot_general3A_6 = tpu.matmul %get3A_5, %convert_element_type3A_3, %dot_general3A {dimension_numbers = #tpu.dot_dimension_numbers<[0], [0], [1], [1], [0, 1, 1, 1], [], []>, transpose_lhs_hint = false} : vector<64x4096xf32>, vector<64x64xf32>, vector<4096x64xf32> -> vector<4096x64xf32>
    %mul3A = arith.constant 8.000000e+00 : f32
    %mul3A_7 = vector.broadcast %mul3A : f32 to vector<4096x64xf32>
    %mul3A_8 = arith.mulf %dot_general3A_6, %mul3A_7 : vector<4096x64xf32>
    %swap3A = arith.constant 0 : index
    %swap3A_9 = arith.constant 0 : index
    %swap3A_10 = vector.load %arg2[%swap3A, %swap3A_9] : memref<4096x128xf32, #tpu.memory_space<vmem>>, vector<4096x64xf32>
    tpu.vector_store %arg2[%swap3A, %swap3A_9], %mul3A_8 {strides = array<i32>} : memref<4096x128xf32, #tpu.memory_space<vmem>>, vector<4096x64xf32>,
    return
  }
  func.func @transform_0(%arg0: i32) -> (i32, i32) {
    %c0_i32 = arith.constant 0 : i32
    %c0_i32_0 = arith.constant 0 : i32
    return %c0_i32, %arg0 : i32, i32
  }
  func.func @transform_1(%arg0: i32) -> (i32, i32) {
    %c0_i32 = arith.constant 0 : i32
    %c0_i32_0 = arith.constant 0 : i32
    return %arg0, %c0_i32 : i32, i32
  }
}

module attributes {stable_mosaic.version = 14 : i64} {
  func.func @_tc_untranspose_body(%arg0: i32, %arg1: memref<4096x128xf32, #tpu.memory_space<vmem>>, %arg2: memref<1x64x4096xf32, #tpu.memory_space<vmem>>) attributes {dimension_semantics = [#tpu.dimension_semantics<arbitrary>], iteration_bounds = array<i64: 200>, scalar_prefetch = 0 : i64, scratch_operands = 0 : i64, tpu.core_type = #tpu.core_type<tc>, window_params = [{transform_indices = @transform_0, window_bounds = array<i64: 4096, 128>}, {transform_indices = @transform_1, window_bounds = array<i64: 1, 64, 4096>}]} {
    %iota3A = tpu.iota {dimensions = array<i32: 0>} : vector<64x64xi32>
    %iota3A_0 = tpu.iota {dimensions = array<i32: 1>} : vector<64x64xi32>
    %add3A = arith.constant 0 : i32
    %add3A_1 = vector.broadcast %add3A : i32 to vector<64x64xi32>
    %add3A_2 = arith.addi %iota3A, %add3A_1 : vector<64x64xi32>
    %eq3A = arith.cmpi eq, %add3A_2, %iota3A_0 : vector<64x64xi32>
    %convert_element_type3A = arith.extui %eq3A : vector<64x64xi1> to vector<64x64xi32>
    %convert_element_type3A_3 = arith.sitofp %convert_element_type3A : vector<64x64xi32> to vector<64x64xf32>
    %get3A = arith.constant 0 : index
    %get3A_4 = arith.constant 0 : index
    %get3A_5 = vector.load %arg1[%get3A, %get3A_4] : memref<4096x128xf32, #tpu.memory_space<vmem>>, vector<4096x64xf32>
    %dot_general3A = arith.constant dense<0.000000e+00> : vector<64x4096xf32>
    %dot_general3A_6 = tpu.matmul %convert_element_type3A_3, %get3A_5, %dot_general3A {dimension_numbers = #tpu.dot_dimension_numbers<[1], [1], [0], [0], [0, 0, 1, 0], [], []>, transpose_lhs_hint = false} : vector<64x64xf32>, vector<4096x64xf32>, vector<64x4096xf32> -> vector<64x4096xf32>
    %swap3A = arith.constant 0 : index
    %swap3A_7 = arith.constant 0 : index
    %swap3A_8 = arith.constant 0 : index
    %swap3A_9 = vector.load %arg2[%swap3A, %swap3A_7, %swap3A_8] : memref<1x64x4096xf32, #tpu.memory_space<vmem>>, vector<1x64x4096xf32>
    %swap3A_10 = vector.shape_cast %swap3A_9 : vector<1x64x4096xf32> to vector<64x4096xf32>
    %swap3A_11 = vector.shape_cast %dot_general3A_6 : vector<64x4096xf32> to vector<1x64x4096xf32>
    tpu.vector_store %arg2[%swap3A, %swap3A_7, %swap3A_8], %swap3A_11 {strides = array<i32>} : memref<1x64x4096xf32, #tpu.memory_space<vmem>>, vector<1x64x4096xf32>,
    return
  }
  func.func @transform_0(%arg0: i32) -> (i32, i32) {
    %c0_i32 = arith.constant 0 : i32
    %c0_i32_0 = arith.constant 0 : i32
    return %arg0, %c0_i32 : i32, i32
  }
  func.func @transform_1(%arg0: i32) -> (i32, i32, i32) {
    %c0_i32 = arith.constant 0 : i32
    %c0_i32_0 = arith.constant 0 : i32
    %c0_i32_1 = arith.constant 0 : i32
    return %arg0, %c0_i32, %c0_i32_0 : i32, i32, i32
  }
}

</mosaic_0001>

<sc_bundles>
// kernel: kernel.5.cloned.1.call-start
scs
__scs_entry_jumppad:
0x0: {  	(pc) =	sbr.rel $0x88, $3  }
0x1: {  	(tag) =	ssettag $0x0;
	lr =	simm.s32 $0x1  }
0x2: {  	[smem:$0x3F9F] =	sst lr;
	_ =	strace $0xD0000000  }
0x3: {  	_ = 	snop  }
0x4: {  	_ = 	snop  }
0x5: {  	_ = 	snop  }
0x6: {  	_ = 	snop  }
0x7: {  	_ = 	snop  }
__scs_overlays_trampoline_lowered:
0x8: {  	[smem:$0x3FAE] =	sst s0  }
0x9: {  	[smem:$0x3FAF] =	sst s1  }
0xa: {  	[smem:$0x3FB0] =	sst s2  }
0xb: {  	[smem:$0x3FB1] =	sst s3  }
0xc: {  	[smem:$0x3FB2] =	sst s4  }
0xd: {  	[smem:$0x3FB3] =	sst s5  }
0xe: {  	[smem:$0x3FB4] =	sst s6  }
0xf: {  	[smem:$0x3FB5] =	sst s7  }
0x10: {  	[smem:$0x3FB6] =	sst s8  }
0x11: {  	[smem:$0x3FB7] =	sst s9;
	s0 =	simm.s32 @!p0 $0x0  }
0x12: {  	s1 =	sld [smem:$0x3F9D];
	s0 =	simm.s32 @p0 $0x1  }
0x13: {  	[smem:$0x3FB8] =	sst s0;
	s0 =	simm.s32 @!p1 $0x0  }
0x14: {  	s2 =	sld [smem:$0x3F9C];
	s0 =	simm.s32 @p1 $0x1  }
0x15: {  	[smem:$0x3FB9] =	sst s0;
	s0 =	simm.s32 @!p2 $0x0  }
0x16: {  	s3 =	sld [smem:$0x3FDB];
	s0 =	simm.s32 @p2 $0x1  }
0x17: {  	s4 =	simm.s32 $0x1BF5;
	[smem:$0x3FBB] =	sst s0  }
0x18: {  	s0 =	sld [smem:$0x3F9E];
	_ =	swait.ge [sflag:s4], $0x0  }
0x19: {  	s7 =	sld [smem:$0x3F9F]  }
0x1a: {  	s8 =	sadd.s32 $0xFFFFE003, lr  }
0x1b: {  	s9 =	sadd.s32 $0xFFFFFEF7, lr;
	s5 =	simm.s32 $0xFFFFFFFF;
	p2 =	slt.u32 s8, $0xFFFFF086  }
0x1c: {  	p1 =	slt.u32 s9, $0xF7A;
	s5 =	simm.s32 @!p2 $0x0  }
0x1d: {  	s5 =	simm.s32 @p1 $0x1;
	p0 =	seq.s32 s7, s2  }
0x1e: {  	s7 =	smul.u32 @!p0 $0xF7A, s2;
	p2 =	seq.s32 @!p0 s5, $0x0  }
0x1f: {  	s9 =	smul.u32 $0xF7A, s1;
	s8 =	simm.s32 @!p0 $0x1BF5;
	p2 =	por !p2, p0  }
0x20: {  	[sflag:s8] =	ssyncset.s32 @!p0 $0xFFFFF086;
	s6 =	sadd.s32 @!p0 s3, s7;
	s7 =	simm.s32 @!p0 $0x108  }
0x21: {  	s3 =	sadd.s32 s3, s9;
	s6 =	sadd.s32 @!p0 $0x88, s6;
	s7 =	simm.s32 @p2 $0x1082  }
0x22: {  	[simem:s7], [sflag:s8] =	dma.local @!p0 [hbm:s6], $0xF7A  }
0x23: {  	s9 =	sor.u32 $0xD0000000, s2;
	s6 =	simm.s32 $0x108;
	_ =	swait.ge @!p0 [sflag:s8], $0x0  }
0x24: {  	s3 =	sadd.s32 $0x88, s3;
	s6 =	simm.s32 @!p1 $0x1082;
	[sflag:s4] =	ssyncset.s32 $0xFFFFF086  }
0x25: {  	[simem:s6], [sflag:s4] =	dma.local [hbm:s3], $0xF7A  }
0x26: {  	[smem:$0x3F9F] =	sst s1;
	(tag) =	ssettag s2;
	_ =	strace s9  }
0x27: {  	s1 =	sld [smem:$0x3FAF]  }
0x28: {  	s2 =	sld [smem:$0x3FB0]  }
0x29: {  	s4 =	sld [smem:$0x3FB2]  }
0x2a: {  	p0 =	seq.s32 s5, $0x0;
	s5 =	sld [smem:$0x3FB3]  }
0x2b: {  	s6 =	sld [smem:$0x3FB4]  }
0x2c: {  	s7 =	sld [smem:$0x3FB5]  }
0x2d: {  	s3 =	simm.s32 $0x108;
	s8 =	sld [smem:$0x3FB6]  }
0x2e: {  	s3 =	simm.s32 @!p0 $0x1082;
	s9 =	sld [smem:$0x3FB7]  }
0x2f: {  	lr =	sadd.s32 s0, s3;
	s0 =	sld [smem:$0x3FAE]  }
0x30: {  	s3 =	sld [smem:$0x3FB1]  }
0x31: {  	[smem:$0x3FBA] =	sst s10  }
0x32: {  	s10 =	sld [smem:$0x3FB8];
	_ =	sdelay $0x3  }
0x33: {  	p0 =	seq.s32 s10, $0x1;
	s10 =	sld [smem:$0x3FBA];
	_ =	sdelay $0x3  }
0x34: {  	[smem:$0x3FBA] =	sst s10  }
0x35: {  	s10 =	sld [smem:$0x3FB9];
	_ =	sdelay $0x3  }
0x36: {  	p1 =	seq.s32 s10, $0x1;
	s10 =	sld [smem:$0x3FBA];
	_ =	sdelay $0x3  }
0x37: {  	[smem:$0x3FBA] =	sst s10  }
0x38: {  	s10 =	sld [smem:$0x3FBB]  }
0x39: {  	_ = 	snop;
	(pc) =	sbr.ind lr, $3  }
0x3a: {  	_ = 	snop  }
0x3b: {  	_ = 	snop  }
0x3c: {  	p2 =	seq.s32 s10, $0x1;
	s10 =	sld [smem:$0x3FBA]  }
0x3d: {  	_ =	shalt  }
0x3e: {  	_ =	shalt  }
0x3f: {  	_ =	shalt  }
0x40: {  	_ =	shalt  }
0x41: {  	_ =	shalt  }
0x42: {  	_ =	shalt  }
0x43: {  	_ =	shalt  }
0x44: {  	_ =	shalt  }
0x45: {  	_ =	shalt  }
0x46: {  	_ =	shalt  }
0x47: {  	_ =	shalt  }
0x48: {  	_ =	shalt  }
0x49: {  	_ =	shalt  }
0x4a: {  	_ =	shalt  }
0x4b: {  	_ =	shalt  }
0x4c: {  	_ =	shalt  }
0x4d: {  	_ =	shalt  }
0x4e: {  	_ =	shalt  }
0x4f: {  	_ =	shalt  }
0x50: {  	_ =	shalt  }
0x51: {  	_ =	shalt  }
0x52: {  	_ =	shalt  }
0x53: {  	_ =	shalt  }
0x54: {  	_ =	shalt  }
0x55: {  	_ =	shalt  }
0x56: {  	_ =	shalt  }
0x57: {  	_ =	shalt  }
0x58: {  	_ =	shalt  }
0x59: {  	_ =	shalt  }
0x5a: {  	_ =	shalt  }
0x5b: {  	_ =	shalt  }
0x5c: {  	_ =	shalt  }
0x5d: {  	_ =	shalt  }
0x5e: {  	_ =	shalt  }
0x5f: {  	_ =	shalt  }
0x60: {  	_ =	shalt  }
0x61: {  	_ =	shalt  }
0x62: {  	_ =	shalt  }
0x63: {  	_ =	shalt  }
0x64: {  	_ =	shalt  }
0x65: {  	_ =	shalt  }
0x66: {  	_ =	shalt  }
0x67: {  	_ =	shalt  }
0x68: {  	_ =	shalt  }
0x69: {  	_ =	shalt  }
0x6a: {  	_ =	shalt  }
0x6b: {  	_ =	shalt  }
0x6c: {  	_ =	shalt  }
0x6d: {  	_ =	shalt  }
0x6e: {  	_ =	shalt  }
0x6f: {  	_ =	shalt  }
0x70: {  	_ =	shalt  }
0x71: {  	_ =	shalt  }
0x72: {  	_ =	shalt  }
0x73: {  	_ =	shalt  }
0x74: {  	_ =	shalt  }
0x75: {  	_ =	shalt  }
0x76: {  	_ =	shalt  }
0x77: {  	_ =	shalt  }
0x78: {  	_ =	shalt  }
0x79: {  	_ =	shalt  }
0x7a: {  	_ =	shalt  }
0x7b: {  	_ =	shalt  }
0x7c: {  	_ =	shalt  }
0x7d: {  	_ =	shalt  }
0x7e: {  	_ =	shalt  }
0x7f: {  	_ =	shalt  }
0x80: {  	_ =	shalt  }
0x81: {  	_ =	shalt  }
0x82: {  	_ =	shalt  }
0x83: {  	_ =	shalt  }
0x84: {  	_ =	shalt  }
0x85: {  	_ =	shalt  }
0x86: {  	_ =	shalt  }
0x87: {  	_ =	shalt  }
.Lfunc_end0:
.L_simem_size_0:
called_computation_lowered:
.L_overlay_start_0:
0x88: {  	s2 =	sld [smem:$0x3FD9]  }
0x89: {  	s3 =	sld [smem:$0x3FFE];
	_ =	sdelay $0x1  }
0x8a: {  	s1 =	srdreg.scid  }
0x8b: {  	s0 =	sand.u32 $0x1, s1  }
0x8c: {  	s17 =	sshll.u32 s0, $0xA;
	s2 =	sadd.s32 s3, s2  }
0x8d: {  	s2 =	sadd.s32 s2, s17  }
0x8e: {  	[smem:$0x3FC6] =	sst s2  }
0x8f: {  	_ = 	snop  }
0x90: {  	s2 =	sld [smem:$0x3FC9];
	(tm) =	ssettm $0x1  }
0x91: {  	s18 =	sld [smem:$0x3FFB];
	_ =	sdelay $0x3  }
0x92: {  	_ =	strace s18  }
0x93: {  	s3 =	sld [smem:$0x3FFC];
	_ =	sdelay $0x3  }
0x94: {  	_ =	strace s3  }
0x95: {  	s3 =	sld [smem:$0x3FFD];
	_ =	sdelay $0x3  }
0x96: {  	_ =	strace s3  }
0x97: {  	_ =	strace $0x8FFFFFFF  }
0x98: {  	s19 =	sld [smem:$0x3FDB];
	_ =	sdelay $0x1  }
0x99: {  	s4 =	simm.s32 $_scs_section_size  }
0x9a: {  	s5 =	simm.s32 $_size__tile_overlayer_lowered;
	s6 =	simm.s32 $_tile_overlayer_lowered  }
0x9b: {  	s22 =	simm.s32 $0x1BFF;
	s21 =	sshll.u32 s6, $0x1;
	s3 =	sadd.s32 s4, s19  }
0x9c: {  	s7 =	simm.s32 $0x0;
	s20 =	sshll.u32 s5, $0x1;
	s5 =	sadd.s32 s21, s3  }
0x9d: {  	[timem:s7], [sflag:s22] =	dma.local [hbm:s5], s20  }
0x9e: {  	_ =	swait.ge [sflag:s22], s20  }
0x9f: {  	s4 =	ssub.s32 $0x0, s20;
	[sflag:s22] =	ssyncset.done $0x0  }
0xa0: {  	[sflag:s22] =	ssyncadd.s32 s4;
	_ =	sdelay $0x1  }
0xa1: {  	s23 =	simm.s32 $0x1B8B  }
0xa2: {  	_ =	swait.ge [sflag:s23], $0x1  }
0xa3: {  	[sflag:s23] =	ssyncset.done $0x0  }
0xa4: {  	s25 =	simm.s32 $0x1B8E;
	s24 =	sld [smem:$0x3FFE];
	[sflag:s23] =	ssyncadd.s32 $0xFFFFFFFF  }
0xa5: {  	s26 =	simm.s32 $execute0_lowered;
	[smem:$0x3FD2] =	sst s25  }
0xa6: {  	s5 =	sshll.u32 s26, $0x1;
	_ =	strace $0x80000046;
	[dreg:$0x1] =	wrdreg $0xFFFFFFFF  }
0xa7: {  	s28 =	simm.s32 $_size_execute0_lowered;
	s3 =	sadd.s32 s3, s5;
	[dreg:$0x0] =	wrdreg $0x0  }
0xa8: {  	s5 =	sshll.u32 s28, $0x1;
	[dreg:$0x2] =	wrdreg s3  }
0xa9: {  	[dreg:$0x3] =	wrdreg s5  }
0xaa: {  	[dreg:$0x4] =	wrdreg $0xC0  }
0xab: {  	_ =	task [dreg:s7], $0x5FFFF  }
0xac: {  	[dreg:$0x1] =	wrdreg $0xFFFFFFFF  }
0xad: {  	[dreg:$0x0] =	wrdreg $0x60  }
0xae: {  	[dreg:$0x2] =	wrdreg s2  }
0xaf: {  	[dreg:$0x3] =	wrdreg s24  }
0xb0: {  	[dreg:$0x4] =	wrdreg $0x9  }
0xb1: {  	_ =	task.clear_ibuf [dreg:s7], $0x5FFFF;
	_ =	strace $0x90000046  }
0xb2: {  	s29 =	simm.s32 $0x9;
	_ =	strace $0x80000048  }
0xb3: {  	_ =	swait.ge [sflag:s29], $0x1  }
0xb4: {  	[sflag:s29] =	ssyncadd.s32 $0xFFFFFFFF  }
0xb5: {  	_ =	strace $0x90000048  }
0xb6: {  	_ =	sfence  }
0xb7: {  	s30 =	sld [smem:$0x0];
	_ =	sdelay $0x2  }
0xb8: {  	s31 =	sshll.u32 s1, $0xD;
	s1 =	sshrl.u32 s1, $0x2  }
0xb9: {  	s3 =	sand.u32 $0x4000, s31;
	s1 =	sadd.s32 s1, s30  }
0xba: {  	s0 =	sor.u32 s3, s0;
	s1 =	sshll.u32 s1, $0x11  }
0xbb: {  	s0 =	sor.u32 s1, s0  }
0xbc: {  	s0 =	sadd.s32 $0x8F2B, s0  }
0xbd: {  	[sflag:s0] =	ssyncadd.remote.s32 $0x1  }
0xbe: {  	_ =	sfence.sel $0xFFFF  }
0xbf: {  	[dreg:$0x0] =	wrdreg $0xFFFFFFFF;
	(pc) =	sbr.abs _section_cstart, $3  }
0xc0: {  	[dreg:$0x1] =	wrdreg $0xFFFFFFFF  }
0xc1: {  	_ =	task.clear_ibuf [dreg:s7], $0x2FFFF;
	_ =	strace $0x9FFFFFFF  }
0xc2: {  	(tm) =	ssettm $0x7FFFFFFF  }
0xc3: {  	_ =	shalt  }
tec
execute0_lowered:
.L_overlay_start_1:
0x0: {  	(tag) =	ssettag $0x1  }
0x1: {  	s3 =	srdreg.scid  }
0x2: {  	s0 =	rddreg [dreg:$0x0];
	s9 =	stileid.u32;
	s5 =	sand.u32 $0x1, s3  }
0x3: {  	s6 =	sshll.u32 s9, $0x8;
	s4 =	ssub.s32 $0x2, s5;
	s7 =	sshll.u32 s5, $0x7  }
0x4: {  	s1 =	rddreg [dreg:$0x1];
	s8 =	sshrl.u32 s4, $0x1;
	s6 =	sor.u32 s7, s6  }
0x5: {  	s2 =	simm.s32 $0x0;
	s19 =	ssub.s32 s4, s8;
	s4 =	sadd.s32 s0, s6  }
0x6: {  	[smem:$0x7FF] =	sst s2;
	s0 =	sadd.s32 $0x1000, s4  }
0x7: {  	_ =	strace $0x80000047;
	s21 =	sadd.s32 $0x2000, s4;
	[dreg:$0x3] =	wrdreg s0  }
0x8: {  	s22 =	sadd.s32 $0x3000, s4;
	[dreg:$0x4] =	wrdreg s21  }
0x9: {  	s23 =	sadd.s32 $0x4000, s4;
	[dreg:$0x5] =	wrdreg s22  }
0xa: {  	s24 =	sadd.s32 $0x5000, s4;
	[dreg:$0x6] =	wrdreg s23  }
0xb: {  	s25 =	sadd.s32 $0x6000, s4;
	[dreg:$0x7] =	wrdreg s24  }
0xc: {  	s26 =	sadd.s32 $0x7000, s4;
	[dreg:$0x8] =	wrdreg s25  }
0xd: {  	s3 =	sadd.s32 $0x400, s1;
	s28 =	sadd.s32 $0x8000, s4;
	[dreg:$0x9] =	wrdreg s26  }
0xe: {  	s1 =	sadd.s32 $0xF42800, s1;
	s29 =	sadd.s32 $0x9000, s4;
	[dreg:$0xa] =	wrdreg s28  }
0xf: {  	s17 =	sshll.u32 s9, $0xC;
	s8 =	sadd.s32 $0xA000, s4;
	[dreg:$0xb] =	wrdreg s29  }
0x10: {  	s9 =	simm.s32 $0x1;
	s10 =	sadd.s32 $0xB000, s4;
	[dreg:$0xc] =	wrdreg s8  }
0x11: {  	s20 =	sadd.s32 s17, s1;
	s11 =	sadd.s32 $0xC000, s4;
	[dreg:$0xd] =	wrdreg s10  }
0x12: {  	s7 =	simm.s32 $0x6400;
	s12 =	sadd.s32 $0xD000, s4;
	[dreg:$0xe] =	wrdreg s11  }
0x13: {  	s16 =	sshll.u32 s6, $0x4;
	s13 =	sadd.s32 $0xE000, s4;
	[dreg:$0xf] =	wrdreg s12  }
0x14: {  	s6 =	simm.s32 $0x80;
	s14 =	sadd.s32 $0xF000, s4;
	[dreg:$0x10] =	wrdreg s13  }
0x15: {  	s15 =	sadd.s32 $0x10000, s4;
	s18 =	sadd.s32 s1, s16;
	[dreg:$0x11] =	wrdreg s14  }
0x16: {  	s31 =	sadd.s32 $0x17000, s4;
	[dreg:$0x12] =	wrdreg s15;
	s21 =	sshll.u32 s5, $0xB  }
0x17: {  	s22 =	sadd.s32 $0x11000, s4;
	s23 =	sadd.s32 $0x12000, s4;
	s24 =	smax.u32 s19, $0x1  }
0x18: {  	s25 =	sadd.s32 $0x13000, s4;
	s26 =	sadd.s32 $0x14000, s4;
	s28 =	sadd.s32 $0x15000, s4  }
0x19: {  	s29 =	sadd.s32 $0x16000, s4;
	s30 =	smov.u32 s18;
	[dreg:$0x13] =	wrdreg s22  }
0x1a: {  	s1 =	sadd.s32 $0x10000, s18;
	s5 =	simm.s32 $0x9;
	[dreg:$0x14] =	wrdreg s23  }
0x1b: {  	s8 =	simm.s32 $0xA400;
	s10 =	simm.s32 $0x2;
	[dreg:$0x15] =	wrdreg s24  }
0x1c: {  	s11 =	simm.s32 $0x5;
	s12 =	simm.s32 $0x6;
	[dreg:$0x16] =	wrdreg s25  }
0x1d: {  	s13 =	simm.s32 $0x7;
	s14 =	simm.s32 $0x8;
	[dreg:$0x17] =	wrdreg s26  }
0x1e: {  	s15 =	simm.s32 $0x0;
	s0 =	sadd.s32 s21, s20;
	[dreg:$0x18] =	wrdreg s28  }
0x1f: {  	[dreg:$0x19] =	wrdreg s29;
	s19 =	sadd.s32 $0x20000, s0;
	s0 =	sadd.s32 $0x18000, s4  }
.LBB2_1:
0x20: {  	[tilespmem:s2], [sflag:$0x9] =	stream.linear.gather [hbm4b:s4+s2], $0x400, $0x38;
	[tilespmem:$0x16400] =	vst v63  }
0x21: {  	_ =	swait.ge [sflag:s5], $0x400  }
0x22: {  	[sflag:s5] =	ssyncset.done $0x0  }
0x23: {  	s17 =	simm.s32 $0x400;
	s16 =	rddreg [dreg:$0x3];
	[sflag:s5] =	ssyncadd.s32 $0xFFFFFC00  }
0x24: {  	[tilespmem:s17], [sflag:$0x9] =	stream.linear.gather [hbm4b:s16+s2], $0x400, $0x38;
	[tilespmem:$0x16400] =	vst v63  }
0x25: {  	_ =	swait.ge [sflag:s5], $0x400  }
0x26: {  	[sflag:s5] =	ssyncset.done $0x0  }
0x27: {  	s20 =	simm.s32 $0x800;
	s18 =	rddreg [dreg:$0x4];
	[sflag:s5] =	ssyncadd.s32 $0xFFFFFC00  }
0x28: {  	[tilespmem:s20], [sflag:$0x9] =	stream.linear.gather [hbm4b:s18+s2], $0x400, $0x38;
	[tilespmem:$0x16400] =	vst v63  }
0x29: {  	_ =	swait.ge [sflag:s5], $0x400  }
0x2a: {  	[sflag:s5] =	ssyncset.done $0x0  }
0x2b: {  	s22 =	simm.s32 $0xC00;
	s21 =	rddreg [dreg:$0x5];
	[sflag:s5] =	ssyncadd.s32 $0xFFFFFC00  }
0x2c: {  	[tilespmem:s22], [sflag:$0x9] =	stream.linear.gather [hbm4b:s21+s2], $0x400, $0x38;
	[tilespmem:$0x16400] =	vst v63  }
0x2d: {  	_ =	swait.ge [sflag:s5], $0x400  }
0x2e: {  	[sflag:s5] =	ssyncset.done $0x0  }
0x2f: {  	s24 =	simm.s32 $0x1000;
	s23 =	rddreg [dreg:$0x6];
	[sflag:s5] =	ssyncadd.s32 $0xFFFFFC00  }
0x30: {  	[tilespmem:s24], [sflag:$0x9] =	stream.linear.gather [hbm4b:s23+s2], $0x400, $0x38;
	[tilespmem:$0x16400] =	vst v63  }
0x31: {  	_ =	swait.ge [sflag:s5], $0x400  }
0x32: {  	[sflag:s5] =	ssyncset.done $0x0  }
0x33: {  	s26 =	simm.s32 $0x1400;
	s25 =	rddreg [dreg:$0x7];
	[sflag:s5] =	ssyncadd.s32 $0xFFFFFC00  }
0x34: {  	[tilespmem:s26], [sflag:$0x9] =	stream.linear.gather [hbm4b:s25+s2], $0x400, $0x38;
	[tilespmem:$0x16400] =	vst v63  }
0x35: {  	_ =	swait.ge [sflag:s5], $0x400  }
0x36: {  	[sflag:s5] =	ssyncset.done $0x0  }
0x37: {  	s29 =	simm.s32 $0x1800;
	s28 =	rddreg [dreg:$0x8];
	[sflag:s5] =	ssyncadd.s32 $0xFFFFFC00  }
0x38: {  	[tilespmem:s29], [sflag:$0x9] =	stream.linear.gather [hbm4b:s28+s2], $0x400, $0x38;
	[tilespmem:$0x16400] =	vst v63  }
0x39: {  	_ =	swait.ge [sflag:s5], $0x400  }
0x3a: {  	[sflag:s5] =	ssyncset.done $0x0  }
0x3b: {  	s20 =	simm.s32 $0x1C00;
	s18 =	rddreg [dreg:$0x9];
	[sflag:s5] =	ssyncadd.s32 $0xFFFFFC00  }
0x3c: {  	[tilespmem:s20], [sflag:$0x9] =	stream.linear.gather [hbm4b:s18+s2], $0x400, $0x38;
	[tilespmem:$0x16400] =	vst v63  }
0x3d: {  	_ =	swait.ge [sflag:s5], $0x400  }
0x3e: {  	[sflag:s5] =	ssyncset.done $0x0  }
0x3f: {  	s22 =	simm.s32 $0x2000;
	s21 =	rddreg [dreg:$0xa];
	[sflag:s5] =	ssyncadd.s32 $0xFFFFFC00  }
0x40: {  	[tilespmem:s22], [sflag:$0x9] =	stream.linear.gather [hbm4b:s21+s2], $0x400, $0x38;
	[tilespmem:$0x16400] =	vst v63  }
0x41: {  	_ =	swait.ge [sflag:s5], $0x400  }
0x42: {  	[sflag:s5] =	ssyncset.done $0x0  }
0x43: {  	s24 =	simm.s32 $0x2400;
	s23 =	rddreg [dreg:$0xb];
	[sflag:s5] =	ssyncadd.s32 $0xFFFFFC00  }
0x44: {  	[tilespmem:s24], [sflag:$0x9] =	stream.linear.gather [hbm4b:s23+s2], $0x400, $0x38;
	[tilespmem:$0x16400] =	vst v63  }
0x45: {  	_ =	swait.ge [sflag:s5], $0x400  }
0x46: {  	[sflag:s5] =	ssyncset.done $0x0  }
0x47: {  	s26 =	simm.s32 $0x2800;
	s25 =	rddreg [dreg:$0xc];
	[sflag:s5] =	ssyncadd.s32 $0xFFFFFC00  }
0x48: {  	[tilespmem:s26], [sflag:$0x9] =	stream.linear.gather [hbm4b:s25+s2], $0x400, $0x38;
	[tilespmem:$0x16400] =	vst v63  }
0x49: {  	_ =	swait.ge [sflag:s5], $0x400  }
0x4a: {  	[sflag:s5] =	ssyncset.done $0x0  }
0x4b: {  	s29 =	simm.s32 $0x2C00;
	s28 =	rddreg [dreg:$0xd];
	[sflag:s5] =	ssyncadd.s32 $0xFFFFFC00  }
0x4c: {  	[tilespmem:s29], [sflag:$0x9] =	stream.linear.gather [hbm4b:s28+s2], $0x400, $0x38;
	[tilespmem:$0x16400] =	vst v63  }
0x4d: {  	_ =	swait.ge [sflag:s5], $0x400  }
0x4e: {  	[sflag:s5] =	ssyncset.done $0x0  }
0x4f: {  	s20 =	simm.s32 $0x3000;
	s18 =	rddreg [dreg:$0xe];
	[sflag:s5] =	ssyncadd.s32 $0xFFFFFC00  }
0x50: {  	[tilespmem:s20], [sflag:$0x9] =	stream.linear.gather [hbm4b:s18+s2], $0x400, $0x38;
	[tilespmem:$0x16400] =	vst v63  }
0x51: {  	_ =	swait.ge [sflag:s5], $0x400  }
0x52: {  	[sflag:s5] =	ssyncset.done $0x0  }
0x53: {  	s22 =	simm.s32 $0x3400;
	s21 =	rddreg [dreg:$0xf];
	[sflag:s5] =	ssyncadd.s32 $0xFFFFFC00  }
0x54: {  	[tilespmem:s22], [sflag:$0x9] =	stream.linear.gather [hbm4b:s21+s2], $0x400, $0x38;
	[tilespmem:$0x16400] =	vst v63  }
0x55: {  	_ =	swait.ge [sflag:s5], $0x400  }
0x56: {  	[sflag:s5] =	ssyncset.done $0x0  }
0x57: {  	s24 =	simm.s32 $0x3800;
	s23 =	rddreg [dreg:$0x10];
	[sflag:s5] =	ssyncadd.s32 $0xFFFFFC00  }
0x58: {  	[tilespmem:s24], [sflag:$0x9] =	stream.linear.gather [hbm4b:s23+s2], $0x400, $0x38;
	[tilespmem:$0x16400] =	vst v63  }
0x59: {  	_ =	swait.ge [sflag:s5], $0x400  }
0x5a: {  	[sflag:s5] =	ssyncset.done $0x0  }
0x5b: {  	s26 =	simm.s32 $0x3C00;
	s25 =	rddreg [dreg:$0x11];
	[sflag:s5] =	ssyncadd.s32 $0xFFFFFC00  }
0x5c: {  	[tilespmem:s26], [sflag:$0x9] =	stream.linear.gather [hbm4b:s25+s2], $0x400, $0x38;
	[tilespmem:$0x16400] =	vst v63  }
0x5d: {  	_ =	swait.ge [sflag:s5], $0x400  }
0x5e: {  	[sflag:s5] =	ssyncset.done $0x0  }
0x5f: {  	s29 =	simm.s32 $0x4000;
	s28 =	rddreg [dreg:$0x12];
	[sflag:s5] =	ssyncadd.s32 $0xFFFFFC00  }
0x60: {  	[tilespmem:s29], [sflag:$0x9] =	stream.linear.gather [hbm4b:s28+s2], $0x400, $0x38;
	[tilespmem:$0x16400] =	vst v63  }
0x61: {  	_ =	swait.ge [sflag:s5], $0x400  }
0x62: {  	[sflag:s5] =	ssyncset.done $0x0  }
0x63: {  	s20 =	simm.s32 $0x4400;
	s18 =	rddreg [dreg:$0x13];
	[sflag:s5] =	ssyncadd.s32 $0xFFFFFC00  }
0x64: {  	[tilespmem:s20], [sflag:$0x9] =	stream.linear.gather [hbm4b:s18+s2], $0x400, $0x38;
	[tilespmem:$0x16400] =	vst v63  }
0x65: {  	_ =	swait.ge [sflag:s5], $0x400  }
0x66: {  	[sflag:s5] =	ssyncset.done $0x0  }
0x67: {  	s22 =	simm.s32 $0x4800;
	s21 =	rddreg [dreg:$0x14];
	[sflag:s5] =	ssyncadd.s32 $0xFFFFFC00  }
0x68: {  	[tilespmem:s22], [sflag:$0x9] =	stream.linear.gather [hbm4b:s21+s2], $0x400, $0x38;
	[tilespmem:$0x16400] =	vst v63  }
0x69: {  	_ =	swait.ge [sflag:s5], $0x400  }
0x6a: {  	[sflag:s5] =	ssyncset.done $0x0  }
0x6b: {  	s24 =	simm.s32 $0x4C00;
	s23 =	rddreg [dreg:$0x16];
	[sflag:s5] =	ssyncadd.s32 $0xFFFFFC00  }
0x6c: {  	[tilespmem:s24], [sflag:$0x9] =	stream.linear.gather [hbm4b:s23+s2], $0x400, $0x38;
	[tilespmem:$0x16400] =	vst v63  }
0x6d: {  	_ =	swait.ge [sflag:s5], $0x400  }
0x6e: {  	[sflag:s5] =	ssyncset.done $0x0  }
0x6f: {  	s26 =	simm.s32 $0x5000;
	s25 =	rddreg [dreg:$0x17];
	[sflag:s5] =	ssyncadd.s32 $0xFFFFFC00  }
0x70: {  	[tilespmem:s26], [sflag:$0x9] =	stream.linear.gather [hbm4b:s25+s2], $0x400, $0x38;
	[tilespmem:$0x16400] =	vst v63  }
0x71: {  	_ =	swait.ge [sflag:s5], $0x400  }
0x72: {  	[sflag:s5] =	ssyncset.done $0x0  }
0x73: {  	s29 =	simm.s32 $0x5400;
	s28 =	rddreg [dreg:$0x18];
	[sflag:s5] =	ssyncadd.s32 $0xFFFFFC00  }
0x74: {  	[tilespmem:s29], [sflag:$0x9] =	stream.linear.gather [hbm4b:s28+s2], $0x400, $0x38;
	[tilespmem:$0x16400] =	vst v63  }
0x75: {  	_ =	swait.ge [sflag:s5], $0x400  }
0x76: {  	[sflag:s5] =	ssyncset.done $0x0  }
0x77: {  	s20 =	simm.s32 $0x5800;
	s18 =	rddreg [dreg:$0x19];
	[sflag:s5] =	ssyncadd.s32 $0xFFFFFC00  }
0x78: {  	[tilespmem:s20], [sflag:$0x9] =	stream.linear.gather [hbm4b:s18+s2], $0x400, $0x38;
	[tilespmem:$0x16400] =	vst v63  }
0x79: {  	_ =	swait.ge [sflag:s5], $0x400  }
0x7a: {  	[sflag:s5] =	ssyncset.done $0x0  }
0x7b: {  	s21 =	simm.s32 $0x5C00;
	[sflag:s5] =	ssyncadd.s32 $0xFFFFFC00  }
0x7c: {  	[tilespmem:s21], [sflag:$0x9] =	stream.linear.gather [hbm4b:s31+s2], $0x400, $0x38;
	[tilespmem:$0x16400] =	vst v63  }
0x7d: {  	_ =	swait.ge [sflag:s5], $0x400  }
0x7e: {  	[sflag:s5] =	ssyncset.done $0x0  }
0x7f: {  	s22 =	simm.s32 $0x6000;
	[sflag:s5] =	ssyncadd.s32 $0xFFFFFC00  }
0x80: {  	[tilespmem:s22], [sflag:$0x9] =	stream.linear.gather [hbm4b:s0+s2], $0x400, $0x38;
	[tilespmem:$0x16400] =	vst v63  }
0x81: {  	_ =	swait.ge [sflag:s5], $0x400  }
0x82: {  	[sflag:s5] =	ssyncset.done $0x0  }
0x83: {  	[sflag:s5] =	ssyncadd.s32 $0xFFFFFC00  }
0x84: {  	[tilespmem:s7], [sflag:$0x1] =	stream.indirect.gather [hbm4b:s3+s6], $0x80, s2, s6, $0xb8;
	[tilespmem:$0x16400] =	vst v63  }
0x85: {  	_ = 	snop  }
0x86: {  	[tilespmem:s8], [sflag:$0x2] =	stream.indirect.gather [hbm4b:s3+s6], $0x80, s6, s6, $0xb8;
	[tilespmem:$0x16400] =	vst v63  }
0x87: {  	s23 =	simm.s32 $0x100;
	s24 =	simm.s32 $0xE400  }
0x88: {  	[tilespmem:s24], [sflag:$0x3] =	stream.indirect.gather [hbm4b:s3+s6], $0x80, s23, s6, $0xb8;
	[tilespmem:$0x16400] =	vst v63  }
0x89: {  	_ =	swait.ge [sflag:s9], $0x4000  }
0x8a: {  	[sflag:s9] =	ssyncset.done $0x0  }
0x8b: {  	p0 =	por $0x0, $0x0;
	[sflag:s9] =	ssyncadd.s32 $0xFFFFC000  }
0x8c: {  	[hbm4b:s30+s2] =	stream.linear.scatter [tilespmem:s7], [sflag:$0x5], $0x4000, $0x38;
	[tilespmem:$0x16400] =	vst v63  }
0x8d: {  	s16 =	simm.s32 $0x4;
	s25 =	simm.s32 $0x180;
	s26 =	simm.s32 $0x12400  }
0x8e: {  	[tilespmem:s26], [sflag:$0x4] =	stream.indirect.gather [hbm4b:s3+s6], $0x80, s25, s6, $0xb8;
	[tilespmem:$0x16400] =	vst v63  }
0x8f: {  	s16 =	sand.u32 @!p0 $0x3, s16;
	s28 =	simm.s32 $0x2;
	_ =	swait.ge [sflag:s10], $0x4000  }
0x90: {  	s17 =	sadd.s32 @!p0 $0x5, s16;
	s20 =	sand.u32 $0x3, s28;
	[sflag:s10] =	ssyncset.done $0x0  }
0x91: {  	s18 =	simm.s32 $0x200;
	s29 =	sshll.u32 s20, $0xE;
	[sflag:s10] =	ssyncadd.s32 $0xFFFFC000  }
0x92: {  	[hbm4b:s1+s2] =	stream.linear.scatter [tilespmem:s8], [sflag:$0x6], $0x4000, $0x38;
	[tilespmem:$0x16400] =	vst v63  }
0x93: {  	s22 =	sshll.u32 @!p0 s16, $0xE;
	s16 =	sadd.s32 @!p0 $0x1, s16;
	_ =	swait.ge @!p0 [sflag:s17], $0x4000  }
0x94: {  	s22 =	sadd.s32 @!p0 $0x6400, s22;
	s23 =	sadd.s32 $0x1, s20;
	[sflag:s17] =	ssyncset.done @!p0 $0x0  }
0x95: {  	s25 =	simm.s32 @!p0 $0x80;
	[sflag:s17] =	ssyncadd.s32 @!p0 $0xFFFFC000;
	s17 =	sand.u32 @!p0 $0xFF80, s18  }
0x96: {  	[tilespmem:s22], [sflag:s16] =	stream.indirect.gather @!p0 [hbm4b:s3+s25], $0x80, s17, s25, $0xb8;
	[tilespmem:$0x16400] =	vst v63  }
0x97: {  	s20 =	sadd.s32 $0x5, s20;
	s18 =	simm.s32 $0x5;
	_ =	swait.ge [sflag:s23], $0x4000  }
0x98: {  	s16 =	simm.s32 $0x280;
	s17 =	sadd.s32 $0x10000, s19;
	[sflag:s23] =	ssyncset.done $0x0  }
0x99: {  	s22 =	sadd.s32 $0x6400, s29;
	s25 =	smov.u32 s19;
	[sflag:s23] =	ssyncadd.s32 $0xFFFFC000  }
.LBB2_2:
0x9a: {  	[hbm4b:s25+s2] =	stream.linear.scatter [tilespmem:s22], [sflag:s20], $0x4000, $0x38;
	[tilespmem:$0x16400] =	vst v63  }
0x9b: {  	s20 =	sadd.s32 $0xFFFFFFFE, s18;
	s22 =	smov.u32 s16;
	s16 =	sadd.s32 $0x80, s16  }
0x9c: {  	s23 =	sand.u32 $0x3, s20;
	p1 =	sgt.u32 s20, $0xC5;
	p0 =	sne.s32 s16, $0x6500  }
0x9d: {  	s25 =	smov.u32 s17;
	s20 =	sand.u32 @!p1 $0x3, s18;
	s24 =	sshll.u32 s23, $0xE  }
0x9e: {  	s26 =	sadd.s32 @!p1 $0x5, s20;
	s21 =	sshll.u32 @!p1 s20, $0xE;
	s20 =	sadd.s32 @!p1 $0x1, s20  }
0x9f: {  	s21 =	sadd.s32 @!p1 $0x6400, s21;
	_ =	swait.ge @!p1 [sflag:s26], $0x4000  }
0xa0: {  	s28 =	simm.s32 @!p1 $0x80;
	s29 =	sadd.s32 $0x1, s23;
	[sflag:s26] =	ssyncset.done @!p1 $0x0  }
.Ltmp0:
0xa1: {  	s22 =	sand.u32 @!p1 $0xFF80, s22;
	[sflag:s26] =	ssyncadd.s32 @!p1 $0xFFFFC000;
	(pc) =	sbr.rel @p0 .LBB2_2-.Ltmp0, $4  }
0xa2: {  	[tilespmem:s21], [sflag:s20] =	stream.indirect.gather @!p1 [hbm4b:s3+s28], $0x80, s22, s28, $0xb8;
	[tilespmem:$0x16400] =	vst v63  }
0xa3: {  	_ =	swait.ge [sflag:s29], $0x4000  }
0xa4: {  	s17 =	sadd.s32 $0x10000, s17;
	s18 =	sadd.s32 $0x1, s18;
	[sflag:s29] =	ssyncset.done $0x0  }
0xa5: {  	s20 =	sadd.s32 $0x5, s23;
	s22 =	sadd.s32 $0x6400, s24;
	[sflag:s29] =	ssyncadd.s32 $0xFFFFC000  }
0xa6: {  	[hbm4b:s25+s2] =	stream.linear.scatter [tilespmem:s22], [sflag:s20], $0x4000, $0x38;
	[tilespmem:$0x16400] =	vst v63  }
0xa7: {  	_ =	swait.ge [sflag:s11], $0x4000  }
0xa8: {  	[sflag:s11] =	ssyncset.done $0x0  }
0xa9: {  	[sflag:s11] =	ssyncadd.s32 $0xFFFFC000  }
0xaa: {  	_ =	swait.ge [sflag:s12], $0x4000  }
0xab: {  	[sflag:s12] =	ssyncset.done $0x0  }
0xac: {  	[sflag:s12] =	ssyncadd.s32 $0xFFFFC000  }
0xad: {  	_ =	swait.ge [sflag:s13], $0x4000  }
0xae: {  	[sflag:s13] =	ssyncset.done $0x0  }
0xaf: {  	[sflag:s13] =	ssyncadd.s32 $0xFFFFC000  }
0xb0: {  	_ =	swait.ge [sflag:s14], $0x4000  }
0xb1: {  	s15 =	sadd.s32 $0x1, s15;
	s16 =	rddreg [dreg:$0x15]  }
0xb2: {  	p0 =	sne.s32 s15, s16  }
.Ltmp1:
0xb3: {  	_ = 	snop;
	(pc) =	sbr.rel @p0 .LBB2_1-.Ltmp1, $3  }
0xb4: {  	_ =	sdelay $0x1  }
0xb5: {  	[sflag:s14] =	ssyncset.done $0x0  }
0xb6: {  	[sflag:s14] =	ssyncadd.s32 $0xFFFFC000  }
0xb7: {  	_ =	sfence.sel $0x180000  }
0xb8: {  	[bflag:$0x0] =	sbarrier.arrive $0xFFFF  }
0xb9: {  	_ =	strace $0x90000047  }
0xba: {  	s0 =	stileid.u32;
	[bflag:$0x2] =	sbarrier.arrive $0xFFFF  }
0xbb: {  	p0 =	sne.s32 s0, $0x0;
	s0 =	rddreg [dreg:$0x2]  }
0xbc: {  	s0 =	sadd.s32 @!p0 $0x100000, s0  }
0xbd: {  	[sflag:s0] =	ssyncadd.tile.s32 @!p0 $0x1;
	_ =	shalt  }
.Lfunc_end2:
_tile_overlayer_lowered:
.L_overlay_start_2:
0xbe: {  	(tag) =	ssettag $0x2  }
0xbf: {  	s0 =	rddreg [dreg:$0x0];
	s2 =	stileid.u32  }
0xc0: {  	s1 =	rddreg [dreg:$0x1];
	p0 =	sne.s32 s2, $0x0  }
0xc1: {  	s3 =	rddreg [dreg:$0x2];
	[bflag:$0x3] =	sbarrier.arrive $0xFFFF;
	s2 =	simm.s32 @!p0 $0x1C09  }
0xc2: {  	[timem:s3], [sflag:s2] =	dma.local @!p0 [hbm:s0], s1  }
0xc3: {  	s0 =	simm.s32 @!p0 $0x9  }
0xc4: {  	_ =	swait.ge @!p0 [sflag:s0], s1  }
0xc5: {  	s1 =	ssub.s32 @!p0 $0x0, s1;
	[sflag:s0] =	ssyncset.done @!p0 $0x0  }
0xc6: {  	[sflag:s0] =	ssyncadd.s32 @!p0 s1  }
0xc7: {  	[bflag:$0x3] =	sbarrier.arrive $0xFFFF  }
0xc8: {  	_ =	shalt  }

</sc_bundles>
